<compile_context>
chip_gen: v7x
topology: tpu7x:2x2x1
jax: 0.10.2.dev20260603
libtpu: 0.0.44.dev20260713+nightly
codegen_flags: <defaults>
</compile_context>

<pallas_src>
import functools

import jax
import jax.numpy as jnp
from jax import lax
from jax.experimental import pallas as pl
from jax.experimental.pallas import tpu as pltpu
from jax.experimental.pallas import tpu_sc as plsc

VOCAB = 5000
EMBED = 128
CLASSES = 20
P = 2
B = 1024
L = 50

NC = 2
NS = 16
NWORK = NC * NS

N_IDS = B * L
N_EDGE = B * L * 2 * P

IDS_PW = N_IDS // NWORK
EDGE_PW = N_EDGE // NWORK
ROWS_PW = B // NWORK

EDGE_CH = 128
N_EDGE_CH = EDGE_PW // EDGE_CH
EMB_CH = 80
N_EMB_CH = IDS_PW // EMB_CH
NW_CH = 64
N_NW_CH = IDS_PW // NW_CH
EDGE_MAIN = 24999936
EDGE_MAX = VOCAB * VOCAB - 1


def _sc_emb_kernel(emb_hbm, nodew_hbm, xidx_hbm,
                   g_hbm, nwv_hbm,
                   xidx_v, rows0, rows1, nwv_v,
                   semg0, semg1, semw0, semw1, semn):
    wid = lax.axis_index("s") * NC + lax.axis_index("c")
    r0 = wid * IDS_PW

    pltpu.sync_copy(xidx_hbm.at[pl.ds(r0, IDS_PW)], xidx_v)

    def nw_fire(c, carry):
        idx = xidx_v.at[pl.ds(c * NW_CH, NW_CH)]
        pltpu.async_copy(nodew_hbm.at[idx], nwv_v.at[pl.ds(c * NW_CH, NW_CH)],
                         semn)
        return carry

    lax.fori_loop(0, N_NW_CH, nw_fire, 0)

    def gather_chunk(c, buf, sem):
        idx = xidx_v.at[pl.ds(c * EMB_CH, EMB_CH)]
        pltpu.async_copy(emb_hbm.at[idx], buf, sem)

    def write_chunk(c, buf, sem):
        return pltpu.async_copy(buf, g_hbm.at[pl.ds(r0 + c * EMB_CH, EMB_CH)],
                                sem)

    def wait_gather(buf, sem):
        pltpu.make_async_copy(emb_hbm.at[pl.ds(0, EMB_CH), :], buf, sem).wait()

    def wait_write(c, buf, sem):
        pltpu.make_async_copy(buf, g_hbm.at[pl.ds(r0 + c * EMB_CH, EMB_CH)],
                              sem).wait()

    gather_chunk(0, rows0, semg0)

    def emb_body(r, carry):
        i = 2 * r
        gather_chunk(i + 1, rows1, semg1)
        wait_gather(rows0, semg0)
        write_chunk(i, rows0, semw0)
        wait_write(i, rows0, semw0)

        @pl.when(r < N_EMB_CH // 2 - 1)
        def _():
            gather_chunk(i + 2, rows0, semg0)

        wait_gather(rows1, semg1)
        write_chunk(i + 1, rows1, semw1)
        wait_write(i + 1, rows1, semw1)
        return carry

    lax.fori_loop(0, N_EMB_CH // 2, emb_body, 0)

    def nw_drain(c, carry):
        pltpu.make_async_copy(nodew_hbm.at[pl.ds(0, NW_CH)],
                              nwv_v.at[pl.ds(c * NW_CH, NW_CH)], semn).wait()
        return carry

    lax.fori_loop(0, N_NW_CH, nw_drain, 0)
    pltpu.sync_copy(nwv_v, nwv_hbm.at[pl.ds(r0, IDS_PW)])


def _sc_edge_kernel(edgem_hbm, tail_hbm, ewcidx_hbm, ewoidx_hbm,
                    ewv_hbm,
                    ewcidx_v, ewoidx_v, tail_v, ewv_v, sem):
    wid = lax.axis_index("s") * NC + lax.axis_index("c")

    pltpu.sync_copy(ewcidx_hbm.at[pl.ds(wid * EDGE_PW, EDGE_PW)], ewcidx_v)
    pltpu.sync_copy(ewoidx_hbm.at[pl.ds(wid * EDGE_PW, EDGE_PW)], ewoidx_v)
    pltpu.sync_copy(tail_hbm, tail_v)

    def edge_fire(c, carry):
        idx = ewcidx_v.at[pl.ds(c * EDGE_CH, EDGE_CH)]
        pltpu.async_copy(edgem_hbm.at[idx],
                         ewv_v.at[pl.ds(c * EDGE_CH, EDGE_CH)], sem)
        return carry

    lax.fori_loop(0, N_EDGE_CH, edge_fire, 0)

    def edge_drain(c, carry):
        pltpu.make_async_copy(edgem_hbm.at[pl.ds(0, EDGE_CH)],
                              ewv_v.at[pl.ds(c * EDGE_CH, EDGE_CH)], sem).wait()
        return carry

    lax.fori_loop(0, N_EDGE_CH, edge_drain, 0)

    def fix_body(c, carry):
        e = ewoidx_v[pl.ds(c * 16, 16)]
        v = ewv_v[pl.ds(c * 16, 16)]
        idx_t = jnp.maximum(e - EDGE_MAIN, 0)
        tv = plsc.load_gather(tail_v, [idx_t])
        ewv_v[pl.ds(c * 16, 16)] = jnp.where(e >= EDGE_MAIN, tv, v)
        return carry

    lax.fori_loop(0, EDGE_PW // 16, fix_body, 0)
    pltpu.sync_copy(ewv_v, ewv_hbm.at[pl.ds(wid * EDGE_PW, EDGE_PW)])


@functools.cache
def _sc_emb():
    return pl.kernel(
        _sc_emb_kernel,
        out_type=[
            jax.ShapeDtypeStruct((N_IDS, EMBED), jnp.float32),
            jax.ShapeDtypeStruct((N_IDS,), jnp.float32),
        ],
        mesh=plsc.VectorSubcoreMesh(core_axis_name="c", subcore_axis_name="s"),
        compiler_params=pltpu.CompilerParams(needs_layout_passes=False),
        scratch_types=[
            pltpu.VMEM((IDS_PW,), jnp.int32),
            pltpu.VMEM((EMB_CH, EMBED), jnp.float32),
            pltpu.VMEM((EMB_CH, EMBED), jnp.float32),
            pltpu.VMEM((IDS_PW,), jnp.float32),
            pltpu.SemaphoreType.DMA,
            pltpu.SemaphoreType.DMA,
            pltpu.SemaphoreType.DMA,
            pltpu.SemaphoreType.DMA,
            pltpu.SemaphoreType.DMA,
        ],
    )


@functools.cache
def _sc_edge():
    return pl.kernel(
        _sc_edge_kernel,
        out_type=jax.ShapeDtypeStruct((N_EDGE,), jnp.float32),
        mesh=plsc.VectorSubcoreMesh(core_axis_name="c", subcore_axis_name="s"),
        compiler_params=pltpu.CompilerParams(needs_layout_passes=False),
        scratch_types=[
            pltpu.VMEM((EDGE_PW,), jnp.int32),
            pltpu.VMEM((EDGE_PW,), jnp.int32),
            pltpu.VMEM((64,), jnp.float32),
            pltpu.VMEM((EDGE_PW,), jnp.float32),
            pltpu.SemaphoreType.DMA,
        ],
    )


BB = 128


def _combine_kernel(g_ref, ew_ref, nw_ref, s_ref):
    G = g_ref[...]
    ew = ew_ref[...]
    nw = nw_ref[...]
    z = jnp.zeros((BB, P, EMBED), jnp.float32)
    Gp = jnp.concatenate([z, G, z], axis=1)
    m = None
    for j, o in enumerate((0, 1, 3, 4)):
        prod = Gp[:, o:o + L, :] * ew[:, :, j:j + 1]
        m = prod if m is None else jnp.maximum(m, prod)
    nwe = nw[:, :, None]
    y = (1.0 - nwe) * m + nwe * G
    s_ref[...] = jnp.sum(y, axis=1)


def _head_kernel(s_ref, gamma_ref, beta_ref, fcw_ref, fcb_ref, lab_ref,
                 logits_ref, loss_ref):
    s = s_ref[...]
    mean = jnp.mean(s, axis=0, keepdims=True)
    xc = s - mean
    var = jnp.mean(xc * xc, axis=0, keepdims=True)
    xn = xc * lax.rsqrt(var + 1e-5) * gamma_ref[...] + beta_ref[...]
    lin = lax.dot_general(xn, fcw_ref[...], (((1,), (1,)), ((), ())),
                          preferred_element_type=jnp.float32) + fcb_ref[...]
    m1 = jnp.max(lin, axis=1, keepdims=True)
    lse1 = m1 + jnp.log(jnp.sum(jnp.exp(lin - m1), axis=1, keepdims=True))
    logits = lin - lse1
    m2 = jnp.max(logits, axis=1, keepdims=True)
    lse2 = m2 + jnp.log(jnp.sum(jnp.exp(logits - m2), axis=1, keepdims=True))
    lsm = logits - lse2
    cls = lax.broadcasted_iota(jnp.int32, (B, CLASSES), 1)
    picked = jnp.sum(jnp.where(cls == lab_ref[...], lsm, 0.0), axis=1)
    logits_ref[...] = logits
    loss_ref[...] = (-jnp.mean(picked))[None, None]


@jax.jit
def kernel(input_ids, labels, node_emb, edge_w, node_w, gamma, beta, fcW, fcb):
    X = input_ids.astype(jnp.int32)
    xp = jnp.pad(X, ((0, 0), (P, P)))
    nb = jnp.stack([xp[:, o:o + L] for o in (0, 1, 3, 4)], axis=-1)
    ewi = X[:, :, None] * VOCAB + nb
    ewi = jnp.where(nb == 0, 0, ewi)
    x_flat = X.reshape(-1)
    ew_flat = ewi.reshape(-1)
    ewc_flat = jnp.minimum(ew_flat, EDGE_MAIN - 1)
    edge_main = lax.slice(edge_w, (0, 0), (EDGE_MAIN, 1)).reshape(-1)
    edge_tail = lax.slice(edge_w, (EDGE_MAIN, 0), (EDGE_MAIN + 64, 1)).reshape(-1)

    G, NWV = _sc_emb()(node_emb, node_w.reshape(-1), x_flat)
    EWV = _sc_edge()(edge_main, edge_tail, ewc_flat, ew_flat)

    s = pl.pallas_call(
        _combine_kernel,
        grid=(B // BB,),
        in_specs=[
            pl.BlockSpec((BB, L, EMBED), lambda i: (i, 0, 0)),
            pl.BlockSpec((BB, L, 2 * P), lambda i: (i, 0, 0)),
            pl.BlockSpec((BB, L), lambda i: (i, 0)),
        ],
        out_specs=pl.BlockSpec((BB, EMBED), lambda i: (i, 0)),
        out_shape=jax.ShapeDtypeStruct((B, EMBED), jnp.float32),
    )(G.reshape(B, L, EMBED), EWV.reshape(B, L, 2 * P), NWV.reshape(B, L))

    logits, loss2d = pl.pallas_call(
        _head_kernel,
        out_shape=[
            jax.ShapeDtypeStruct((B, CLASSES), jnp.float32),
            jax.ShapeDtypeStruct((1, 1), jnp.float32),
        ],
    )(s, gamma.reshape(1, EMBED), beta.reshape(1, EMBED), fcW,
      fcb.reshape(1, CLASSES), labels.reshape(B, 1).astype(jnp.int32))

    return (loss2d[0, 0], logits)

# --- scband reference (transcript-rebuilt; emitter-appended) ---
"""Pipeline reference for scband-tc-1821066133784 (READ-ONLY COPY).

The authoritative reference and input builder live on the scoring server;
editing this copy changes nothing except your own understanding.
"""

import jax, jax.numpy as jnp
import numpy as np

VOCAB = 5000
EMBED = 128
CLASSES = 20
P = 2
B = 1024
L = 50

def setup_inputs(seed: int = 0) -> dict:
    key = jax.random.key(seed)
    ks = jax.random.split(key, 8)
    input_ids = jax.random.randint(ks[0], (B, L), 0, VOCAB)
    labels = jax.random.randint(ks[1], (B,), 0, CLASSES)
    node_emb = jax.random.normal(ks[2], (VOCAB, EMBED), dtype=jnp.float32) * 0.02
    node_emb = node_emb.at[0].set(0.0)  # padding_idx=0
    edge_w = jax.random.uniform(ks[3], (VOCAB * VOCAB + 1, 1), dtype=jnp.float32, minval=-0.01, maxval=0.01)
    edge_w = edge_w.at[0].set(0.0)  # padding_idx=0
    node_w = jax.random.uniform(ks[4], (VOCAB, 1), dtype=jnp.float32, minval=-0.02, maxval=0.02)
    node_w = node_w.at[0].set(0.0)  # padding_idx=0
    gamma = jnp.ones((EMBED,), dtype=jnp.float32)
    beta = jnp.zeros((EMBED,), dtype=jnp.float32)
    fcW = jax.random.normal(ks[5], (CLASSES, EMBED), dtype=jnp.float32) * 0.02
    fcb = jnp.zeros((CLASSES,), dtype=jnp.float32)
    return {"input_ids": input_ids, "labels": labels, "node_emb": node_emb,
            "edge_w": edge_w, "node_w": node_w, "gamma": gamma, "beta": beta,
            "fcW": fcW, "fcb": fcb}

def get_neighbors(x_ids, nb_neighbor):
    Bb, Ll = x_ids.shape
    pad = jnp.zeros((Bb, nb_neighbor), dtype=x_ids.dtype)
    xp = jnp.concatenate([pad, x_ids, pad], axis=1)  # [B, L+2p]
    offs = list(range(nb_neighbor)) + list(range(nb_neighbor + 1, 2 * nb_neighbor + 1))
    nb = jnp.stack([xp[:, o:o + Ll] for o in offs], axis=-1)  # [B, L, 2p]
    ew = x_ids[:, :, None] * VOCAB + nb
    ew = jnp.where(nb == 0, 0, ew)
    return nb, ew

def reference(input_ids, labels, node_emb, edge_w, node_w, gamma, beta, fcW, fcb):
    X = input_ids
    NX, EW = get_neighbors(X, P)
    Ra = jnp.take(node_emb, NX, axis=0)        # [B, L, 2P, E]
    Ean = jnp.take(edge_w, EW, axis=0)         # [B, L, 2P, 1]
    Mn = jnp.max(Ra * Ean, axis=2)             # [B, L, E]
    Rn = jnp.take(node_emb, X, axis=0)         # [B, L, E]
    Nn = jnp.take(node_w, X, axis=0)           # [B, L, 1]
    y = (1.0 - Nn) * Mn + Nn * Rn
    s = jnp.sum(y, axis=1)                     # [B, E]
    # BatchNorm1d in training mode: batch statistics, biased variance
    mean = jnp.mean(s, axis=0)
    var = jnp.var(s, axis=0)
    xn = (s - mean) / jnp.sqrt(var + 1e-5)
    xn = xn * gamma + beta
    lin = xn @ fcW.T + fcb
    logits = lin - jax.scipy.special.logsumexp(lin, axis=1, keepdims=True)  # LogSoftmax
    # CrossEntropyLoss applies log_softmax again on the log-probs (faithful to original)
    lsm = logits - jax.scipy.special.logsumexp(logits, axis=1, keepdims=True)
    loss = -jnp.mean(lsm[jnp.arange(logits.shape[0]), labels])
    return (loss, logits)

if __name__ == "__main__":
    import jax
    _d = setup_inputs()
    print(jax.jit(kernel)(*tuple(_d.values())))

</pallas_src>

<mosaic_0001>
#map = affine_map<(d0, d1) -> (0, 0)>
#map1 = affine_map<(d0, d1) -> (0)>
module attributes {stable_mosaic.version = 14 : i64} {
  func.func @_sc_emb_kernel(%arg0: i32, %arg1: i32, %arg2: memref<5000x128xf32, #tpu.memory_space<hbm>>, %arg3: memref<5000xf32, #tpu.memory_space<hbm>>, %arg4: memref<51200xi32, #tpu.memory_space<hbm>>, %arg5: memref<51200x128xf32, #tpu.memory_space<hbm>>, %arg6: memref<51200xf32, #tpu.memory_space<hbm>>, %arg7: memref<1600xi32, #tpu.memory_space<vmem>>, %arg8: memref<80x128xf32, #tpu.memory_space<vmem>>, %arg9: memref<80x128xf32, #tpu.memory_space<vmem>>, %arg10: memref<1600xf32, #tpu.memory_space<vmem>>, %arg11: memref<!tpu.dma_semaphore, #tpu.memory_space<semaphore_mem>>, %arg12: memref<!tpu.dma_semaphore, #tpu.memory_space<semaphore_mem>>, %arg13: memref<!tpu.dma_semaphore, #tpu.memory_space<semaphore_mem>>, %arg14: memref<!tpu.dma_semaphore, #tpu.memory_space<semaphore_mem>>, %arg15: memref<!tpu.dma_semaphore, #tpu.memory_space<semaphore_mem>>) attributes {dimension_semantics = [#tpu.dimension_semantics<core_parallel>, #tpu.dimension_semantics<subcore_parallel>], iteration_bounds = array<i64: 2, 16>, scalar_prefetch = 0 : i64, scratch_operands = 9 : i64, tpu.core_type = #tpu.core_type<sc_vector_subcore>, window_params = [{transform_indices = #map}, {transform_indices = #map1}, {transform_indices = #map1}, {transform_indices = #map}, {transform_indices = #map1}]} {
    %mul3A = arith.constant 2 : i32
    %mul3A_0 = arith.muli %arg1, %mul3A : i32
    %add3A = arith.addi %mul3A_0, %arg0 : i32
    %mul3A_1 = arith.constant 1600 : i32
    %mul3A_2 = arith.muli %add3A, %mul3A_1 : i32
    "tpu.region"() ({
      %run_scoped3A = tpu.sem_alloc : memref<!tpu.dma_semaphore, #tpu.memory_space<semaphore_mem>>
      %dma_start3A_24 = tpu.memref_slice %arg4[%mul3A_2] : memref<51200xi32, #tpu.memory_space<hbm>> -> memref<1600xi32, #tpu.memory_space<hbm>>
      %dma_start3A_25 = tpu.memref_slice %arg4[%mul3A_2] : memref<51200xi32, #tpu.memory_space<hbm>> -> memref<1600xi32, #tpu.memory_space<hbm>>
      tpu.enqueue_dma source(%dma_start3A_25 : memref<1600xi32, #tpu.memory_space<hbm>>) target(%arg7 : memref<1600xi32, #tpu.memory_space<vmem>>) target_semaphore(%run_scoped3A : memref<!tpu.dma_semaphore, #tpu.memory_space<semaphore_mem>>)
      %dma_wait3A = tpu.memref_slice %arg4[%mul3A_2] : memref<51200xi32, #tpu.memory_space<hbm>> -> memref<1600xi32, #tpu.memory_space<hbm>>
      %dma_wait3A_26 = tpu.memref_slice %arg4[%mul3A_2] : memref<51200xi32, #tpu.memory_space<hbm>> -> memref<1600xi32, #tpu.memory_space<hbm>>
      tpu.wait_dma2 semaphore(%run_scoped3A : memref<!tpu.dma_semaphore, #tpu.memory_space<semaphore_mem>>) src(%dma_wait3A_26 : memref<1600xi32, #tpu.memory_space<hbm>>) dst(%arg7 : memref<1600xi32, #tpu.memory_space<vmem>>)
      tpu.yield
    }) : () -> ()
    %scan3A = arith.constant 0 : i32
    %scan3A_3 = arith.constant 0 : i32
    %scan3A_4 = arith.constant 25 : i32
    %scan3A_5 = arith.addi %scan3A_3, %scan3A_4 : i32
    %scan3A_6 = arith.constant 1 : i32
    scf.for %scan3A_24 = %scan3A_3 to %scan3A_5 step %scan3A_6  : i32 {
      %mul3A_25 = arith.constant 64 : i32
      %mul3A_26 = arith.muli %scan3A_24, %mul3A_25 : i32
      %mul3A_27 = arith.constant 64 : i32
      %mul3A_28 = arith.muli %scan3A_24, %mul3A_27 : i32
      %dma_start3A_29 = tpu.memref_slice %arg10[%mul3A_28] : memref<1600xf32, #tpu.memory_space<vmem>> -> memref<64xf32, #tpu.memory_space<vmem>>
      %dma_start3A_30 = tpu.memref_slice %arg7[%mul3A_26] : memref<1600xi32, #tpu.memory_space<vmem>> -> memref<64xi32, #tpu.memory_space<vmem>>
      %dma_start3A_31 = arith.constant 0 : i32
      %dma_start3A_32 = tpu.memref_slice %arg3[%dma_start3A_31] : memref<5000xf32, #tpu.memory_space<hbm>> -> memref<5000xf32, #tpu.memory_space<hbm>>
      tpu.enqueue_indirect_dma source(%dma_start3A_32 : memref<5000xf32, #tpu.memory_space<hbm>>) target(%dma_start3A_29 : memref<64xf32, #tpu.memory_space<vmem>>) offsets(%dma_start3A_30 : memref<64xi32, #tpu.memory_space<vmem>>) semaphore(%arg15 : memref<!tpu.dma_semaphore, #tpu.memory_space<semaphore_mem>>)
    }
    %scan3A_7 = arith.constant 25 : i32
    %dma_start3A = arith.constant 0 : i32
    %dma_start3A_8 = tpu.memref_slice %arg7[%dma_start3A] : memref<1600xi32, #tpu.memory_space<vmem>> -> memref<80xi32, #tpu.memory_space<vmem>>
    %dma_start3A_9 = arith.constant 0 : i32
    %dma_start3A_10 = arith.constant 0 : i32
    %dma_start3A_11 = tpu.memref_slice %arg2[%dma_start3A_9, %dma_start3A_10] : memref<5000x128xf32, #tpu.memory_space<hbm>> -> memref<5000x128xf32, #tpu.memory_space<hbm>>
    tpu.enqueue_indirect_dma source(%dma_start3A_11 : memref<5000x128xf32, #tpu.memory_space<hbm>>) target(%arg8 : memref<80x128xf32, #tpu.memory_space<vmem>>) offsets(%dma_start3A_8 : memref<80xi32, #tpu.memory_space<vmem>>) semaphore(%arg11 : memref<!tpu.dma_semaphore, #tpu.memory_space<semaphore_mem>>)
    %scan3A_12 = arith.constant 0 : i32
    %scan3A_13 = arith.constant 0 : i32
    %scan3A_14 = arith.constant 10 : i32
    %scan3A_15 = arith.addi %scan3A_13, %scan3A_14 : i32
    %scan3A_16 = arith.constant 1 : i32
    scf.for %scan3A_24 = %scan3A_13 to %scan3A_15 step %scan3A_16  : i32 {
      %mul3A_25 = arith.constant 2 : i32
      %mul3A_26 = arith.muli %mul3A_25, %scan3A_24 : i32
      %add3A_27 = arith.constant 1 : i32
      %add3A_28 = arith.addi %mul3A_26, %add3A_27 : i32
      %mul3A_29 = arith.constant 80 : i32
      %mul3A_30 = arith.muli %add3A_28, %mul3A_29 : i32
      %dma_start3A_31 = tpu.memref_slice %arg7[%mul3A_30] : memref<1600xi32, #tpu.memory_space<vmem>> -> memref<80xi32, #tpu.memory_space<vmem>>
      %dma_start3A_32 = arith.constant 0 : i32
      %dma_start3A_33 = arith.constant 0 : i32
      %dma_start3A_34 = tpu.memref_slice %arg2[%dma_start3A_32, %dma_start3A_33] : memref<5000x128xf32, #tpu.memory_space<hbm>> -> memref<5000x128xf32, #tpu.memory_space<hbm>>
      tpu.enqueue_indirect_dma source(%dma_start3A_34 : memref<5000x128xf32, #tpu.memory_space<hbm>>) target(%arg9 : memref<80x128xf32, #tpu.memory_space<vmem>>) offsets(%dma_start3A_31 : memref<80xi32, #tpu.memory_space<vmem>>) semaphore(%arg12 : memref<!tpu.dma_semaphore, #tpu.memory_space<semaphore_mem>>)
      %dma_wait3A = arith.constant 0 : i32
      %dma_wait3A_35 = arith.constant 0 : i32
      %dma_wait3A_36 = tpu.memref_slice %arg2[%dma_wait3A, %dma_wait3A_35] : memref<5000x128xf32, #tpu.memory_space<hbm>> -> memref<80x128xf32, #tpu.memory_space<hbm>>
      %dma_wait3A_37 = arith.constant 0 : i32
      %dma_wait3A_38 = arith.constant 0 : i32
      %dma_wait3A_39 = tpu.memref_slice %arg2[%dma_wait3A_37, %dma_wait3A_38] : memref<5000x128xf32, #tpu.memory_space<hbm>> -> memref<80x128xf32, #tpu.memory_space<hbm>>
      tpu.wait_dma2 semaphore(%arg11 : memref<!tpu.dma_semaphore, #tpu.memory_space<semaphore_mem>>) src(%dma_wait3A_39 : memref<80x128xf32, #tpu.memory_space<hbm>>) dst(%arg8 : memref<80x128xf32, #tpu.memory_space<vmem>>)
      %mul3A_40 = arith.constant 80 : i32
      %mul3A_41 = arith.muli %mul3A_26, %mul3A_40 : i32
      %add3A_42 = arith.addi %mul3A_2, %mul3A_41 : i32
      %dma_start3A_43 = arith.constant 0 : i32
      %dma_start3A_44 = tpu.memref_slice %arg5[%add3A_42, %dma_start3A_43] : memref<51200x128xf32, #tpu.memory_space<hbm>> -> memref<80x128xf32, #tpu.memory_space<hbm>>
      %dma_start3A_45 = arith.constant 0 : i32
      %dma_start3A_46 = tpu.memref_slice %arg5[%add3A_42, %dma_start3A_45] : memref<51200x128xf32, #tpu.memory_space<hbm>> -> memref<80x128xf32, #tpu.memory_space<hbm>>
      tpu.enqueue_dma source(%arg8 : memref<80x128xf32, #tpu.memory_space<vmem>>) target(%dma_start3A_46 : memref<80x128xf32, #tpu.memory_space<hbm>>) target_semaphore(%arg13 : memref<!tpu.dma_semaphore, #tpu.memory_space<semaphore_mem>>)
      %mul3A_47 = arith.constant 80 : i32
      %mul3A_48 = arith.muli %mul3A_26, %mul3A_47 : i32
      %add3A_49 = arith.addi %mul3A_2, %mul3A_48 : i32
      %dma_wait3A_50 = arith.constant 0 : i32
      %dma_wait3A_51 = tpu.memref_slice %arg5[%add3A_49, %dma_wait3A_50] : memref<51200x128xf32, #tpu.memory_space<hbm>> -> memref<80x128xf32, #tpu.memory_space<hbm>>
      %dma_wait3A_52 = arith.constant 0 : i32
      %dma_wait3A_53 = tpu.memref_slice %arg5[%add3A_49, %dma_wait3A_52] : memref<51200x128xf32, #tpu.memory_space<hbm>> -> memref<80x128xf32, #tpu.memory_space<hbm>>
      tpu.wait_dma2 semaphore(%arg13 : memref<!tpu.dma_semaphore, #tpu.memory_space<semaphore_mem>>) src(%arg8 : memref<80x128xf32, #tpu.memory_space<vmem>>) dst(%dma_wait3A_53 : memref<80x128xf32, #tpu.memory_space<hbm>>)
      %lt3A = arith.constant 9 : i32
      %lt3A_54 = arith.cmpi slt, %scan3A_24, %lt3A : i32
      %convert_element_type3A = arith.extui %lt3A_54 : i1 to i32
      %cond3A = arith.constant 0 : i32
      %cond3A_55 = arith.cmpi ne, %convert_element_type3A, %cond3A : i32
      scf.if %cond3A_55 {
        %add3A_80 = arith.constant 2 : i32
        %add3A_81 = arith.addi %mul3A_26, %add3A_80 : i32
        %mul3A_82 = arith.constant 80 : i32
        %mul3A_83 = arith.muli %add3A_81, %mul3A_82 : i32
        %dma_start3A_84 = tpu.memref_slice %arg7[%mul3A_83] : memref<1600xi32, #tpu.memory_space<vmem>> -> memref<80xi32, #tpu.memory_space<vmem>>
        %dma_start3A_85 = arith.constant 0 : i32
        %dma_start3A_86 = arith.constant 0 : i32
        %dma_start3A_87 = tpu.memref_slice %arg2[%dma_start3A_85, %dma_start3A_86] : memref<5000x128xf32, #tpu.memory_space<hbm>> -> memref<5000x128xf32, #tpu.memory_space<hbm>>
        tpu.enqueue_indirect_dma source(%dma_start3A_87 : memref<5000x128xf32, #tpu.memory_space<hbm>>) target(%arg8 : memref<80x128xf32, #tpu.memory_space<vmem>>) offsets(%dma_start3A_84 : memref<80xi32, #tpu.memory_space<vmem>>) semaphore(%arg11 : memref<!tpu.dma_semaphore, #tpu.memory_space<semaphore_mem>>)
      } else {
      }
      %dma_wait3A_56 = arith.constant 0 : i32
      %dma_wait3A_57 = arith.constant 0 : i32
      %dma_wait3A_58 = tpu.memref_slice %arg2[%dma_wait3A_56, %dma_wait3A_57] : memref<5000x128xf32, #tpu.memory_space<hbm>> -> memref<80x128xf32, #tpu.memory_space<hbm>>
      %dma_wait3A_59 = arith.constant 0 : i32
      %dma_wait3A_60 = arith.constant 0 : i32
      %dma_wait3A_61 = tpu.memref_slice %arg2[%dma_wait3A_59, %dma_wait3A_60] : memref<5000x128xf32, #tpu.memory_space<hbm>> -> memref<80x128xf32, #tpu.memory_space<hbm>>
      tpu.wait_dma2 semaphore(%arg12 : memref<!tpu.dma_semaphore, #tpu.memory_space<semaphore_mem>>) src(%dma_wait3A_61 : memref<80x128xf32, #tpu.memory_space<hbm>>) dst(%arg9 : memref<80x128xf32, #tpu.memory_space<vmem>>)
      %add3A_62 = arith.constant 1 : i32
      %add3A_63 = arith.addi %mul3A_26, %add3A_62 : i32
      %mul3A_64 = arith.constant 80 : i32
      %mul3A_65 = arith.muli %add3A_63, %mul3A_64 : i32
      %add3A_66 = arith.addi %mul3A_2, %mul3A_65 : i32
      %dma_start3A_67 = arith.constant 0 : i32
      %dma_start3A_68 = tpu.memref_slice %arg5[%add3A_66, %dma_start3A_67] : memref<51200x128xf32, #tpu.memory_space<hbm>> -> memref<80x128xf32, #tpu.memory_space<hbm>>
      %dma_start3A_69 = arith.constant 0 : i32
      %dma_start3A_70 = tpu.memref_slice %arg5[%add3A_66, %dma_start3A_69] : memref<51200x128xf32, #tpu.memory_space<hbm>> -> memref<80x128xf32, #tpu.memory_space<hbm>>
      tpu.enqueue_dma source(%arg9 : memref<80x128xf32, #tpu.memory_space<vmem>>) target(%dma_start3A_70 : memref<80x128xf32, #tpu.memory_space<hbm>>) target_semaphore(%arg14 : memref<!tpu.dma_semaphore, #tpu.memory_space<semaphore_mem>>)
      %add3A_71 = arith.constant 1 : i32
      %add3A_72 = arith.addi %mul3A_26, %add3A_71 : i32
      %mul3A_73 = arith.constant 80 : i32
      %mul3A_74 = arith.muli %add3A_72, %mul3A_73 : i32
      %add3A_75 = arith.addi %mul3A_2, %mul3A_74 : i32
      %dma_wait3A_76 = arith.constant 0 : i32
      %dma_wait3A_77 = tpu.memref_slice %arg5[%add3A_75, %dma_wait3A_76] : memref<51200x128xf32, #tpu.memory_space<hbm>> -> memref<80x128xf32, #tpu.memory_space<hbm>>
      %dma_wait3A_78 = arith.constant 0 : i32
      %dma_wait3A_79 = tpu.memref_slice %arg5[%add3A_75, %dma_wait3A_78] : memref<51200x128xf32, #tpu.memory_space<hbm>> -> memref<80x128xf32, #tpu.memory_space<hbm>>
      tpu.wait_dma2 semaphore(%arg14 : memref<!tpu.dma_semaphore, #tpu.memory_space<semaphore_mem>>) src(%arg9 : memref<80x128xf32, #tpu.memory_space<vmem>>) dst(%dma_wait3A_79 : memref<80x128xf32, #tpu.memory_space<hbm>>)
    }
    %scan3A_17 = arith.constant 10 : i32
    %scan3A_18 = arith.constant 0 : i32
    %scan3A_19 = arith.constant 0 : i32
    %scan3A_20 = arith.constant 25 : i32
    %scan3A_21 = arith.addi %scan3A_19, %scan3A_20 : i32
    %scan3A_22 = arith.constant 1 : i32
    scf.for %scan3A_24 = %scan3A_19 to %scan3A_21 step %scan3A_22  : i32 {
      %mul3A_25 = arith.constant 64 : i32
      %mul3A_26 = arith.muli %scan3A_24, %mul3A_25 : i32
      %dma_wait3A = tpu.memref_slice %arg10[%mul3A_26] : memref<1600xf32, #tpu.memory_space<vmem>> -> memref<64xf32, #tpu.memory_space<vmem>>
      %dma_wait3A_27 = arith.constant 0 : i32
      %dma_wait3A_28 = tpu.memref_slice %arg3[%dma_wait3A_27] : memref<5000xf32, #tpu.memory_space<hbm>> -> memref<64xf32, #tpu.memory_space<hbm>>
      %dma_wait3A_29 = tpu.memref_slice %arg10[%mul3A_26] : memref<1600xf32, #tpu.memory_space<vmem>> -> memref<64xf32, #tpu.memory_space<vmem>>
      %dma_wait3A_30 = arith.constant 0 : i32
      %dma_wait3A_31 = tpu.memref_slice %arg3[%dma_wait3A_30] : memref<5000xf32, #tpu.memory_space<hbm>> -> memref<64xf32, #tpu.memory_space<hbm>>
      tpu.wait_dma2 semaphore(%arg15 : memref<!tpu.dma_semaphore, #tpu.memory_space<semaphore_mem>>) src(%dma_wait3A_31 : memref<64xf32, #tpu.memory_space<hbm>>) dst(%dma_wait3A_29 : memref<64xf32, #tpu.memory_space<vmem>>)
    }
    %scan3A_23 = arith.constant 25 : i32
    "tpu.region"() ({
      %run_scoped3A = tpu.sem_alloc : memref<!tpu.dma_semaphore, #tpu.memory_space<semaphore_mem>>
      %dma_start3A_24 = tpu.memref_slice %arg6[%mul3A_2] : memref<51200xf32, #tpu.memory_space<hbm>> -> memref<1600xf32, #tpu.memory_space<hbm>>
      %dma_start3A_25 = tpu.memref_slice %arg6[%mul3A_2] : memref<51200xf32, #tpu.memory_space<hbm>> -> memref<1600xf32, #tpu.memory_space<hbm>>
      tpu.enqueue_dma source(%arg10 : memref<1600xf32, #tpu.memory_space<vmem>>) target(%dma_start3A_25 : memref<1600xf32, #tpu.memory_space<hbm>>) target_semaphore(%run_scoped3A : memref<!tpu.dma_semaphore, #tpu.memory_space<semaphore_mem>>)
      %dma_wait3A = tpu.memref_slice %arg6[%mul3A_2] : memref<51200xf32, #tpu.memory_space<hbm>> -> memref<1600xf32, #tpu.memory_space<hbm>>
      %dma_wait3A_26 = tpu.memref_slice %arg6[%mul3A_2] : memref<51200xf32, #tpu.memory_space<hbm>> -> memref<1600xf32, #tpu.memory_space<hbm>>
      tpu.wait_dma2 semaphore(%run_scoped3A : memref<!tpu.dma_semaphore, #tpu.memory_space<semaphore_mem>>) src(%arg10 : memref<1600xf32, #tpu.memory_space<vmem>>) dst(%dma_wait3A_26 : memref<1600xf32, #tpu.memory_space<hbm>>)
      tpu.yield
    }) : () -> ()
    return
  }
}

#map = affine_map<(d0, d1) -> (0)>
module attributes {stable_mosaic.version = 14 : i64} {
  func.func @_sc_edge_kernel(%arg0: i32, %arg1: i32, %arg2: memref<24999936xf32, #tpu.memory_space<hbm>>, %arg3: memref<64xf32, #tpu.memory_space<hbm>>, %arg4: memref<204800xi32, #tpu.memory_space<hbm>>, %arg5: memref<204800xi32, #tpu.memory_space<hbm>>, %arg6: memref<204800xf32, #tpu.memory_space<hbm>>, %arg7: memref<6400xi32, #tpu.memory_space<vmem>>, %arg8: memref<6400xi32, #tpu.memory_space<vmem>>, %arg9: memref<64xf32, #tpu.memory_space<vmem>>, %arg10: memref<6400xf32, #tpu.memory_space<vmem>>, %arg11: memref<!tpu.dma_semaphore, #tpu.memory_space<semaphore_mem>>) attributes {dimension_semantics = [#tpu.dimension_semantics<core_parallel>, #tpu.dimension_semantics<subcore_parallel>], iteration_bounds = array<i64: 2, 16>, scalar_prefetch = 0 : i64, scratch_operands = 5 : i64, tpu.core_type = #tpu.core_type<sc_vector_subcore>, window_params = [{transform_indices = #map}, {transform_indices = #map}, {transform_indices = #map}, {transform_indices = #map}, {transform_indices = #map}]} {
    %mul3A = arith.constant 2 : i32
    %mul3A_0 = arith.muli %arg1, %mul3A : i32
    %add3A = arith.addi %mul3A_0, %arg0 : i32
    %mul3A_1 = arith.constant 6400 : i32
    %mul3A_2 = arith.muli %add3A, %mul3A_1 : i32
    "tpu.region"() ({
      %run_scoped3A = tpu.sem_alloc : memref<!tpu.dma_semaphore, #tpu.memory_space<semaphore_mem>>
      %dma_start3A = tpu.memref_slice %arg4[%mul3A_2] : memref<204800xi32, #tpu.memory_space<hbm>> -> memref<6400xi32, #tpu.memory_space<hbm>>
      %dma_start3A_24 = tpu.memref_slice %arg4[%mul3A_2] : memref<204800xi32, #tpu.memory_space<hbm>> -> memref<6400xi32, #tpu.memory_space<hbm>>
      tpu.enqueue_dma source(%dma_start3A_24 : memref<6400xi32, #tpu.memory_space<hbm>>) target(%arg7 : memref<6400xi32, #tpu.memory_space<vmem>>) target_semaphore(%run_scoped3A : memref<!tpu.dma_semaphore, #tpu.memory_space<semaphore_mem>>)
      %dma_wait3A = tpu.memref_slice %arg4[%mul3A_2] : memref<204800xi32, #tpu.memory_space<hbm>> -> memref<6400xi32, #tpu.memory_space<hbm>>
      %dma_wait3A_25 = tpu.memref_slice %arg4[%mul3A_2] : memref<204800xi32, #tpu.memory_space<hbm>> -> memref<6400xi32, #tpu.memory_space<hbm>>
      tpu.wait_dma2 semaphore(%run_scoped3A : memref<!tpu.dma_semaphore, #tpu.memory_space<semaphore_mem>>) src(%dma_wait3A_25 : memref<6400xi32, #tpu.memory_space<hbm>>) dst(%arg7 : memref<6400xi32, #tpu.memory_space<vmem>>)
      tpu.yield
    }) : () -> ()
    %mul3A_3 = arith.constant 6400 : i32
    %mul3A_4 = arith.muli %add3A, %mul3A_3 : i32
    "tpu.region"() ({
      %run_scoped3A = tpu.sem_alloc : memref<!tpu.dma_semaphore, #tpu.memory_space<semaphore_mem>>
      %dma_start3A = tpu.memref_slice %arg5[%mul3A_4] : memref<204800xi32, #tpu.memory_space<hbm>> -> memref<6400xi32, #tpu.memory_space<hbm>>
      %dma_start3A_24 = tpu.memref_slice %arg5[%mul3A_4] : memref<204800xi32, #tpu.memory_space<hbm>> -> memref<6400xi32, #tpu.memory_space<hbm>>
      tpu.enqueue_dma source(%dma_start3A_24 : memref<6400xi32, #tpu.memory_space<hbm>>) target(%arg8 : memref<6400xi32, #tpu.memory_space<vmem>>) target_semaphore(%run_scoped3A : memref<!tpu.dma_semaphore, #tpu.memory_space<semaphore_mem>>)
      %dma_wait3A = tpu.memref_slice %arg5[%mul3A_4] : memref<204800xi32, #tpu.memory_space<hbm>> -> memref<6400xi32, #tpu.memory_space<hbm>>
      %dma_wait3A_25 = tpu.memref_slice %arg5[%mul3A_4] : memref<204800xi32, #tpu.memory_space<hbm>> -> memref<6400xi32, #tpu.memory_space<hbm>>
      tpu.wait_dma2 semaphore(%run_scoped3A : memref<!tpu.dma_semaphore, #tpu.memory_space<semaphore_mem>>) src(%dma_wait3A_25 : memref<6400xi32, #tpu.memory_space<hbm>>) dst(%arg8 : memref<6400xi32, #tpu.memory_space<vmem>>)
      tpu.yield
    }) : () -> ()
    "tpu.region"() ({
      %run_scoped3A = tpu.sem_alloc : memref<!tpu.dma_semaphore, #tpu.memory_space<semaphore_mem>>
      tpu.enqueue_dma source(%arg3 : memref<64xf32, #tpu.memory_space<hbm>>) target(%arg9 : memref<64xf32, #tpu.memory_space<vmem>>) target_semaphore(%run_scoped3A : memref<!tpu.dma_semaphore, #tpu.memory_space<semaphore_mem>>)
      tpu.wait_dma2 semaphore(%run_scoped3A : memref<!tpu.dma_semaphore, #tpu.memory_space<semaphore_mem>>) src(%arg3 : memref<64xf32, #tpu.memory_space<hbm>>) dst(%arg9 : memref<64xf32, #tpu.memory_space<vmem>>)
      tpu.yield
    }) : () -> ()
    %scan3A = arith.constant 0 : i32
    %scan3A_5 = arith.constant 0 : i32
    %scan3A_6 = arith.constant 50 : i32
    %scan3A_7 = arith.addi %scan3A_5, %scan3A_6 : i32
    %scan3A_8 = arith.constant 1 : i32
    scf.for %scan3A_24 = %scan3A_5 to %scan3A_7 step %scan3A_8  : i32 {
      %mul3A_25 = arith.constant 128 : i32
      %mul3A_26 = arith.muli %scan3A_24, %mul3A_25 : i32
      %mul3A_27 = arith.constant 128 : i32
      %mul3A_28 = arith.muli %scan3A_24, %mul3A_27 : i32
      %dma_start3A = tpu.memref_slice %arg10[%mul3A_28] : memref<6400xf32, #tpu.memory_space<vmem>> -> memref<128xf32, #tpu.memory_space<vmem>>
      %dma_start3A_29 = tpu.memref_slice %arg7[%mul3A_26] : memref<6400xi32, #tpu.memory_space<vmem>> -> memref<128xi32, #tpu.memory_space<vmem>>
      %dma_start3A_30 = arith.constant 0 : i32
      %dma_start3A_31 = tpu.memref_slice %arg2[%dma_start3A_30] : memref<24999936xf32, #tpu.memory_space<hbm>> -> memref<24999936xf32, #tpu.memory_space<hbm>>
      tpu.enqueue_indirect_dma source(%dma_start3A_31 : memref<24999936xf32, #tpu.memory_space<hbm>>) target(%dma_start3A : memref<128xf32, #tpu.memory_space<vmem>>) offsets(%dma_start3A_29 : memref<128xi32, #tpu.memory_space<vmem>>) semaphore(%arg11 : memref<!tpu.dma_semaphore, #tpu.memory_space<semaphore_mem>>)
    }
    %scan3A_9 = arith.constant 50 : i32
    %scan3A_10 = arith.constant 0 : i32
    %scan3A_11 = arith.constant 0 : i32
    %scan3A_12 = arith.constant 50 : i32
    %scan3A_13 = arith.addi %scan3A_11, %scan3A_12 : i32
    %scan3A_14 = arith.constant 1 : i32
    scf.for %scan3A_24 = %scan3A_11 to %scan3A_13 step %scan3A_14  : i32 {
      %mul3A_25 = arith.constant 128 : i32
      %mul3A_26 = arith.muli %scan3A_24, %mul3A_25 : i32
      %dma_wait3A = tpu.memref_slice %arg10[%mul3A_26] : memref<6400xf32, #tpu.memory_space<vmem>> -> memref<128xf32, #tpu.memory_space<vmem>>
      %dma_wait3A_27 = arith.constant 0 : i32
      %dma_wait3A_28 = tpu.memref_slice %arg2[%dma_wait3A_27] : memref<24999936xf32, #tpu.memory_space<hbm>> -> memref<128xf32, #tpu.memory_space<hbm>>
      %dma_wait3A_29 = tpu.memref_slice %arg10[%mul3A_26] : memref<6400xf32, #tpu.memory_space<vmem>> -> memref<128xf32, #tpu.memory_space<vmem>>
      %dma_wait3A_30 = arith.constant 0 : i32
      %dma_wait3A_31 = tpu.memref_slice %arg2[%dma_wait3A_30] : memref<24999936xf32, #tpu.memory_space<hbm>> -> memref<128xf32, #tpu.memory_space<hbm>>
      tpu.wait_dma2 semaphore(%arg11 : memref<!tpu.dma_semaphore, #tpu.memory_space<semaphore_mem>>) src(%dma_wait3A_31 : memref<128xf32, #tpu.memory_space<hbm>>) dst(%dma_wait3A_29 : memref<128xf32, #tpu.memory_space<vmem>>)
    }
    %scan3A_15 = arith.constant 50 : i32
    %scan3A_16 = arith.constant 0 : i32
    %scan3A_17 = arith.constant 0 : i32
    %scan3A_18 = arith.constant 400 : i32
    %scan3A_19 = arith.addi %scan3A_17, %scan3A_18 : i32
    %scan3A_20 = arith.constant 1 : i32
    scf.for %scan3A_24 = %scan3A_17 to %scan3A_19 step %scan3A_20  : i32 {
      %mul3A_25 = arith.constant 16 : i32
      %mul3A_26 = arith.muli %scan3A_24, %mul3A_25 : i32
      %get3A = arith.index_cast %mul3A_26 : i32 to index
      %get3A_27 = tpu.vector_load %arg8[%get3A] {strides = array<i32>} : memref<6400xi32, #tpu.memory_space<vmem>>, vector<16xi32>,
      %mul3A_28 = arith.constant 16 : i32
      %mul3A_29 = arith.muli %scan3A_24, %mul3A_28 : i32
      %get3A_30 = arith.index_cast %mul3A_29 : i32 to index
      %get3A_31 = tpu.vector_load %arg10[%get3A_30] {strides = array<i32>} : memref<6400xf32, #tpu.memory_space<vmem>>, vector<16xf32>,
      %sub3A = arith.constant 24999936 : i32
      %sub3A_32 = vector.broadcast %sub3A : i32 to vector<16xi32>
      %sub3A_33 = arith.subi %get3A_27, %sub3A_32 : vector<16xi32>
      %max3A = arith.constant 0 : i32
      %max3A_34 = vector.broadcast %max3A : i32 to vector<16xi32>
      %max3A_35 = arith.maxsi %sub3A_33, %max3A_34 : vector<16xi32>
      %gather3A = tpu.vector_load_idx %arg9[%max3A_35] : memref<64xf32, #tpu.memory_space<vmem>>[vector<16xi32>], vector<16xf32>,
      %ge3A = arith.constant 24999936 : i32
      %ge3A_36 = vector.broadcast %ge3A : i32 to vector<16xi32>
      %ge3A_37 = arith.cmpi sge, %get3A_27, %ge3A_36 : vector<16xi32>
      %select_n3A = arith.select %ge3A_37, %gather3A, %get3A_31 : vector<16xi1>, vector<16xf32>
      %mul3A_38 = arith.constant 16 : i32
      %mul3A_39 = arith.muli %scan3A_24, %mul3A_38 : i32
      %swap3A = arith.index_cast %mul3A_39 : i32 to index
      %swap3A_40 = tpu.vector_load %arg10[%swap3A] {strides = array<i32>} : memref<6400xf32, #tpu.memory_space<vmem>>, vector<16xf32>,
      tpu.vector_store %arg10[%swap3A], %select_n3A {strides = array<i32>} : memref<6400xf32, #tpu.memory_space<vmem>>, vector<16xf32>,
    }
    %scan3A_21 = arith.constant 400 : i32
    %mul3A_22 = arith.constant 6400 : i32
    %mul3A_23 = arith.muli %add3A, %mul3A_22 : i32
    "tpu.region"() ({
      %run_scoped3A = tpu.sem_alloc : memref<!tpu.dma_semaphore, #tpu.memory_space<semaphore_mem>>
      %dma_start3A = tpu.memref_slice %arg6[%mul3A_23] : memref<204800xf32, #tpu.memory_space<hbm>> -> memref<6400xf32, #tpu.memory_space<hbm>>
      %dma_start3A_24 = tpu.memref_slice %arg6[%mul3A_23] : memref<204800xf32, #tpu.memory_space<hbm>> -> memref<6400xf32, #tpu.memory_space<hbm>>
      tpu.enqueue_dma source(%arg10 : memref<6400xf32, #tpu.memory_space<vmem>>) target(%dma_start3A_24 : memref<6400xf32, #tpu.memory_space<hbm>>) target_semaphore(%run_scoped3A : memref<!tpu.dma_semaphore, #tpu.memory_space<semaphore_mem>>)
      %dma_wait3A = tpu.memref_slice %arg6[%mul3A_23] : memref<204800xf32, #tpu.memory_space<hbm>> -> memref<6400xf32, #tpu.memory_space<hbm>>
      %dma_wait3A_25 = tpu.memref_slice %arg6[%mul3A_23] : memref<204800xf32, #tpu.memory_space<hbm>> -> memref<6400xf32, #tpu.memory_space<hbm>>
      tpu.wait_dma2 semaphore(%run_scoped3A : memref<!tpu.dma_semaphore, #tpu.memory_space<semaphore_mem>>) src(%arg10 : memref<6400xf32, #tpu.memory_space<vmem>>) dst(%dma_wait3A_25 : memref<6400xf32, #tpu.memory_space<hbm>>)
      tpu.yield
    }) : () -> ()
    return
  }
}

module attributes {stable_mosaic.version = 14 : i64} {
  func.func @_combine_kernel(%arg0: i32, %arg1: memref<128x50x128xf32, #tpu.memory_space<vmem>>, %arg2: memref<128x50x4xf32, #tpu.memory_space<vmem>>, %arg3: memref<128x50xf32, #tpu.memory_space<vmem>>, %arg4: memref<128x128xf32, #tpu.memory_space<vmem>>) attributes {dimension_semantics = [#tpu.dimension_semantics<arbitrary>], iteration_bounds = array<i64: 8>, scalar_prefetch = 0 : i64, scratch_operands = 0 : i64, tpu.core_type = #tpu.core_type<tc>, window_params = [{transform_indices = @transform_0, window_bounds = array<i64: 128, 50, 128>}, {transform_indices = @transform_1, window_bounds = array<i64: 128, 50, 4>}, {transform_indices = @transform_2, window_bounds = array<i64: 128, 50>}, {transform_indices = @transform_3, window_bounds = array<i64: 128, 128>}]} {
    %get3A = arith.constant 0 : index
    %get3A_0 = arith.constant 0 : index
    %get3A_1 = arith.constant 0 : index
    %get3A_2 = vector.load %arg1[%get3A, %get3A_0, %get3A_1] : memref<128x50x128xf32, #tpu.memory_space<vmem>>, vector<128x50x128xf32>
    %get3A_3 = arith.constant 0 : index
    %get3A_4 = arith.constant 0 : index
    %get3A_5 = arith.constant 0 : index
    %get3A_6 = vector.load %arg2[%get3A_3, %get3A_4, %get3A_5] : memref<128x50x4xf32, #tpu.memory_space<vmem>>, vector<128x50x4xf32>
    %get3A_7 = arith.constant 0 : index
    %get3A_8 = arith.constant 0 : index
    %get3A_9 = vector.load %arg3[%get3A_7, %get3A_8] : memref<128x50xf32, #tpu.memory_space<vmem>>, vector<128x50xf32>
    %broadcast_in_dim3A = arith.constant 0.000000e+00 : f32
    %broadcast_in_dim3A_10 = vector.broadcast %broadcast_in_dim3A : f32 to vector<128x2x128xf32>
    %concatenate3A = tpu.concatenate %broadcast_in_dim3A_10, %get3A_2, %broadcast_in_dim3A_10 in 1 : vector<128x2x128xf32>, vector<128x50x128xf32>, vector<128x2x128xf32> -> vector<128x54x128xf32>
    %slice3A = vector.extract_strided_slice %concatenate3A {offsets = [0, 0, 0], sizes = [128, 50, 128], strides = [1, 1, 1]} : vector<128x54x128xf32> to vector<128x50x128xf32>
    %slice3A_11 = vector.extract_strided_slice %get3A_6 {offsets = [0, 0, 0], sizes = [128, 50, 1], strides = [1, 1, 1]} : vector<128x50x4xf32> to vector<128x50x1xf32>
    %mul3A = vector.broadcast %slice3A_11 : vector<128x50x1xf32> to vector<128x50x128xf32>
    %mul3A_12 = arith.mulf %slice3A, %mul3A : vector<128x50x128xf32>
    %slice3A_13 = vector.extract_strided_slice %concatenate3A {offsets = [0, 1, 0], sizes = [128, 50, 128], strides = [1, 1, 1]} : vector<128x54x128xf32> to vector<128x50x128xf32>
    %slice3A_14 = vector.extract_strided_slice %get3A_6 {offsets = [0, 0, 1], sizes = [128, 50, 1], strides = [1, 1, 1]} : vector<128x50x4xf32> to vector<128x50x1xf32>
    %mul3A_15 = vector.broadcast %slice3A_14 : vector<128x50x1xf32> to vector<128x50x128xf32>
    %mul3A_16 = arith.mulf %slice3A_13, %mul3A_15 : vector<128x50x128xf32>
    %max3A = arith.maximumf %mul3A_12, %mul3A_16 : vector<128x50x128xf32>
    %slice3A_17 = vector.extract_strided_slice %concatenate3A {offsets = [0, 3, 0], sizes = [128, 50, 128], strides = [1, 1, 1]} : vector<128x54x128xf32> to vector<128x50x128xf32>
    %slice3A_18 = vector.extract_strided_slice %get3A_6 {offsets = [0, 0, 2], sizes = [128, 50, 1], strides = [1, 1, 1]} : vector<128x50x4xf32> to vector<128x50x1xf32>
    %mul3A_19 = vector.broadcast %slice3A_18 : vector<128x50x1xf32> to vector<128x50x128xf32>
    %mul3A_20 = arith.mulf %slice3A_17, %mul3A_19 : vector<128x50x128xf32>
    %max3A_21 = arith.maximumf %max3A, %mul3A_20 : vector<128x50x128xf32>
    %slice3A_22 = vector.extract_strided_slice %concatenate3A {offsets = [0, 4, 0], sizes = [128, 50, 128], strides = [1, 1, 1]} : vector<128x54x128xf32> to vector<128x50x128xf32>
    %slice3A_23 = vector.extract_strided_slice %get3A_6 {offsets = [0, 0, 3], sizes = [128, 50, 1], strides = [1, 1, 1]} : vector<128x50x4xf32> to vector<128x50x1xf32>
    %mul3A_24 = vector.broadcast %slice3A_23 : vector<128x50x1xf32> to vector<128x50x128xf32>
    %mul3A_25 = arith.mulf %slice3A_22, %mul3A_24 : vector<128x50x128xf32>
    %max3A_26 = arith.maximumf %max3A_21, %mul3A_25 : vector<128x50x128xf32>
    %broadcast_in_dim3A_27 = vector.shape_cast %get3A_9 : vector<128x50xf32> to vector<128x50x1xf32>
    %sub3A = arith.constant 1.000000e+00 : f32
    %sub3A_28 = vector.broadcast %sub3A : f32 to vector<128x50x1xf32>
    %sub3A_29 = arith.subf %sub3A_28, %broadcast_in_dim3A_27 : vector<128x50x1xf32>
    %mul3A_30 = vector.broadcast %sub3A_29 : vector<128x50x1xf32> to vector<128x50x128xf32>
    %mul3A_31 = arith.mulf %mul3A_30, %max3A_26 : vector<128x50x128xf32>
    %mul3A_32 = vector.broadcast %broadcast_in_dim3A_27 : vector<128x50x1xf32> to vector<128x50x128xf32>
    %mul3A_33 = arith.mulf %mul3A_32, %get3A_2 : vector<128x50x128xf32>
    %add3A = arith.addf %mul3A_31, %mul3A_33 : vector<128x50x128xf32>
    %reduce_sum3A = arith.constant dense<0.000000e+00> : vector<128x128xf32>
    %reduce_sum3A_34 = vector.multi_reduction <add>, %add3A, %reduce_sum3A [1] : vector<128x50x128xf32> to vector<128x128xf32>
    %swap3A = arith.constant 0 : index
    %swap3A_35 = arith.constant 0 : index
    %swap3A_36 = vector.load %arg4[%swap3A, %swap3A_35] : memref<128x128xf32, #tpu.memory_space<vmem>>, vector<128x128xf32>
    tpu.vector_store %arg4[%swap3A, %swap3A_35], %reduce_sum3A_34 {strides = array<i32>} : memref<128x128xf32, #tpu.memory_space<vmem>>, vector<128x128xf32>,
    return
  }
  func.func @transform_0(%arg0: i32) -> (i32, i32, i32) {
    %c0_i32 = arith.constant 0 : i32
    %c0_i32_0 = arith.constant 0 : i32
    %c0_i32_1 = arith.constant 0 : i32
    return %arg0, %c0_i32, %c0_i32_0 : i32, i32, i32
  }
  func.func @transform_1(%arg0: i32) -> (i32, i32, i32) {
    %c0_i32 = arith.constant 0 : i32
    %c0_i32_0 = arith.constant 0 : i32
    %c0_i32_1 = arith.constant 0 : i32
    return %arg0, %c0_i32, %c0_i32_0 : i32, i32, i32
  }
  func.func @transform_2(%arg0: i32) -> (i32, i32) {
    %c0_i32 = arith.constant 0 : i32
    %c0_i32_0 = arith.constant 0 : i32
    return %arg0, %c0_i32 : i32, i32
  }
  func.func @transform_3(%arg0: i32) -> (i32, i32) {
    %c0_i32 = arith.constant 0 : i32
    %c0_i32_0 = arith.constant 0 : i32
    return %arg0, %c0_i32 : i32, i32
  }
}

module attributes {stable_mosaic.version = 14 : i64} {
  func.func @_head_kernel(%arg0: memref<1024x128xf32, #tpu.memory_space<vmem>>, %arg1: memref<1x128xf32, #tpu.memory_space<vmem>>, %arg2: memref<1x128xf32, #tpu.memory_space<vmem>>, %arg3: memref<20x128xf32, #tpu.memory_space<vmem>>, %arg4: memref<1x20xf32, #tpu.memory_space<vmem>>, %arg5: memref<1024x1xi32, #tpu.memory_space<vmem>>, %arg6: memref<1024x20xf32, #tpu.memory_space<vmem>>, %arg7: memref<1x1xf32, #tpu.memory_space<vmem>>) attributes {dimension_semantics = [], scalar_prefetch = 0 : i64, scratch_operands = 0 : i64, tpu.core_type = #tpu.core_type<tc>} {
    %get3A = arith.constant 0 : index
    %get3A_0 = arith.constant 0 : index
    %get3A_1 = vector.load %arg0[%get3A, %get3A_0] : memref<1024x128xf32, #tpu.memory_space<vmem>>, vector<1024x128xf32>
    %reduce_sum3A = arith.constant dense<0.000000e+00> : vector<128xf32>
    %reduce_sum3A_2 = vector.multi_reduction <add>, %get3A_1, %reduce_sum3A [0] : vector<1024x128xf32> to vector<128xf32>
    %broadcast_in_dim3A = vector.shape_cast %reduce_sum3A_2 : vector<128xf32> to vector<1x128xf32>
    %div3A = arith.constant 1.024000e+03 : f32
    %div3A_3 = vector.broadcast %div3A : f32 to vector<1x128xf32>
    %div3A_4 = arith.divf %broadcast_in_dim3A, %div3A_3 : vector<1x128xf32>
    %sub3A = vector.broadcast %div3A_4 : vector<1x128xf32> to vector<1024x128xf32>
    %sub3A_5 = arith.subf %get3A_1, %sub3A : vector<1024x128xf32>
    %mul3A = arith.mulf %sub3A_5, %sub3A_5 : vector<1024x128xf32>
    %reduce_sum3A_6 = arith.constant dense<0.000000e+00> : vector<128xf32>
    %reduce_sum3A_7 = vector.multi_reduction <add>, %mul3A, %reduce_sum3A_6 [0] : vector<1024x128xf32> to vector<128xf32>
    %broadcast_in_dim3A_8 = vector.shape_cast %reduce_sum3A_7 : vector<128xf32> to vector<1x128xf32>
    %div3A_9 = arith.constant 1.024000e+03 : f32
    %div3A_10 = vector.broadcast %div3A_9 : f32 to vector<1x128xf32>
    %div3A_11 = arith.divf %broadcast_in_dim3A_8, %div3A_10 : vector<1x128xf32>
    %add3A = arith.constant 9.99999974E-6 : f32
    %add3A_12 = vector.broadcast %add3A : f32 to vector<1x128xf32>
    %add3A_13 = arith.addf %div3A_11, %add3A_12 : vector<1x128xf32>
    %rsqrt3A = math.rsqrt %add3A_13 : vector<1x128xf32>
    %mul3A_14 = vector.broadcast %rsqrt3A : vector<1x128xf32> to vector<1024x128xf32>
    %mul3A_15 = arith.mulf %sub3A_5, %mul3A_14 : vector<1024x128xf32>
    %get3A_16 = arith.constant 0 : index
    %get3A_17 = arith.constant 0 : index
    %get3A_18 = vector.load %arg1[%get3A_16, %get3A_17] : memref<1x128xf32, #tpu.memory_space<vmem>>, vector<1x128xf32>
    %mul3A_19 = vector.broadcast %get3A_18 : vector<1x128xf32> to vector<1024x128xf32>
    %mul3A_20 = arith.mulf %mul3A_15, %mul3A_19 : vector<1024x128xf32>
    %get3A_21 = arith.constant 0 : index
    %get3A_22 = arith.constant 0 : index
    %get3A_23 = vector.load %arg2[%get3A_21, %get3A_22] : memref<1x128xf32, #tpu.memory_space<vmem>>, vector<1x128xf32>
    %add3A_24 = vector.broadcast %get3A_23 : vector<1x128xf32> to vector<1024x128xf32>
    %add3A_25 = arith.addf %mul3A_20, %add3A_24 : vector<1024x128xf32>
    %get3A_26 = arith.constant 0 : index
    %get3A_27 = arith.constant 0 : index
    %get3A_28 = vector.load %arg3[%get3A_26, %get3A_27] : memref<20x128xf32, #tpu.memory_space<vmem>>, vector<20x128xf32>
    %dot_general3A = arith.constant dense<0.000000e+00> : vector<1024x20xf32>
    %dot_general3A_29 = tpu.matmul %add3A_25, %get3A_28, %dot_general3A {dimension_numbers = #tpu.dot_dimension_numbers<[1], [1], [0], [0], [0, 0, 1, 0], [], []>, transpose_lhs_hint = false} : vector<1024x128xf32>, vector<20x128xf32>, vector<1024x20xf32> -> vector<1024x20xf32>
    %get3A_30 = arith.constant 0 : index
    %get3A_31 = arith.constant 0 : index
    %get3A_32 = vector.load %arg4[%get3A_30, %get3A_31] : memref<1x20xf32, #tpu.memory_space<vmem>>, vector<1x20xf32>
    %add3A_33 = vector.broadcast %get3A_32 : vector<1x20xf32> to vector<1024x20xf32>
    %add3A_34 = arith.addf %dot_general3A_29, %add3A_33 : vector<1024x20xf32>
    %reduce_max3A = arith.constant dense<0xFF800000> : vector<1024xf32>
    %reduce_max3A_35 = vector.multi_reduction <maximumf>, %add3A_34, %reduce_max3A [1] : vector<1024x20xf32> to vector<1024xf32>
    %broadcast_in_dim3A_36 = vector.shape_cast %reduce_max3A_35 : vector<1024xf32> to vector<1024x1xf32>
    %sub3A_37 = vector.broadcast %broadcast_in_dim3A_36 : vector<1024x1xf32> to vector<1024x20xf32>
    %sub3A_38 = arith.subf %add3A_34, %sub3A_37 : vector<1024x20xf32>
    %exp3A = math.exp %sub3A_38 : vector<1024x20xf32>
    %reduce_sum3A_39 = arith.constant dense<0.000000e+00> : vector<1024xf32>
    %reduce_sum3A_40 = vector.multi_reduction <add>, %exp3A, %reduce_sum3A_39 [1] : vector<1024x20xf32> to vector<1024xf32>
    %broadcast_in_dim3A_41 = vector.shape_cast %reduce_sum3A_40 : vector<1024xf32> to vector<1024x1xf32>
    %log3A = math.log %broadcast_in_dim3A_41 : vector<1024x1xf32>
    %add3A_42 = arith.addf %broadcast_in_dim3A_36, %log3A : vector<1024x1xf32>
    %sub3A_43 = vector.broadcast %add3A_42 : vector<1024x1xf32> to vector<1024x20xf32>
    %sub3A_44 = arith.subf %add3A_34, %sub3A_43 : vector<1024x20xf32>
    %reduce_max3A_45 = arith.constant dense<0xFF800000> : vector<1024xf32>
    %reduce_max3A_46 = vector.multi_reduction <maximumf>, %sub3A_44, %reduce_max3A_45 [1] : vector<1024x20xf32> to vector<1024xf32>
    %broadcast_in_dim3A_47 = vector.shape_cast %reduce_max3A_46 : vector<1024xf32> to vector<1024x1xf32>
    %sub3A_48 = vector.broadcast %broadcast_in_dim3A_47 : vector<1024x1xf32> to vector<1024x20xf32>
    %sub3A_49 = arith.subf %sub3A_44, %sub3A_48 : vector<1024x20xf32>
    %exp3A_50 = math.exp %sub3A_49 : vector<1024x20xf32>
    %reduce_sum3A_51 = arith.constant dense<0.000000e+00> : vector<1024xf32>
    %reduce_sum3A_52 = vector.multi_reduction <add>, %exp3A_50, %reduce_sum3A_51 [1] : vector<1024x20xf32> to vector<1024xf32>
    %broadcast_in_dim3A_53 = vector.shape_cast %reduce_sum3A_52 : vector<1024xf32> to vector<1024x1xf32>
    %log3A_54 = math.log %broadcast_in_dim3A_53 : vector<1024x1xf32>
    %add3A_55 = arith.addf %broadcast_in_dim3A_47, %log3A_54 : vector<1024x1xf32>
    %sub3A_56 = vector.broadcast %add3A_55 : vector<1024x1xf32> to vector<1024x20xf32>
    %sub3A_57 = arith.subf %sub3A_44, %sub3A_56 : vector<1024x20xf32>
    %iota3A = tpu.iota {dimensions = array<i32: 1>} : vector<1024x20xi32>
    %get3A_58 = arith.constant 0 : index
    %get3A_59 = arith.constant 0 : index
    %get3A_60 = vector.load %arg5[%get3A_58, %get3A_59] : memref<1024x1xi32, #tpu.memory_space<vmem>>, vector<1024x1xi32>
    %eq3A = vector.broadcast %get3A_60 : vector<1024x1xi32> to vector<1024x20xi32>
    %eq3A_61 = arith.cmpi eq, %iota3A, %eq3A : vector<1024x20xi32>
    %jit3A = arith.constant 0.000000e+00 : f32
    %broadcast_in_dim3A_62 = vector.broadcast %jit3A : f32 to vector<1024x20xf32>
    %select_n3A = arith.select %eq3A_61, %sub3A_57, %broadcast_in_dim3A_62 : vector<1024x20xi1>, vector<1024x20xf32>
    %reduce_sum3A_63 = arith.constant dense<0.000000e+00> : vector<1024xf32>
    %reduce_sum3A_64 = vector.multi_reduction <add>, %select_n3A, %reduce_sum3A_63 [1] : vector<1024x20xf32> to vector<1024xf32>
    %swap3A = arith.constant 0 : index
    %swap3A_65 = arith.constant 0 : index
    %swap3A_66 = vector.load %arg6[%swap3A, %swap3A_65] : memref<1024x20xf32, #tpu.memory_space<vmem>>, vector<1024x20xf32>
    tpu.vector_store %arg6[%swap3A, %swap3A_65], %sub3A_44 {strides = array<i32>} : memref<1024x20xf32, #tpu.memory_space<vmem>>, vector<1024x20xf32>,
    %reduce_sum3A_67 = vector.shape_cast %reduce_sum3A_64 : vector<1024xf32> to vector<1x1024xf32>
    %reduce_sum3A_68 = arith.constant dense<0.000000e+00> : vector<1xf32>
    %reduce_sum3A_69 = vector.multi_reduction <add>, %reduce_sum3A_67, %reduce_sum3A_68 [1] : vector<1x1024xf32> to vector<1xf32>
    %reduce_sum3A_70 = vector.shape_cast %reduce_sum3A_69 : vector<1xf32> to vector<1x1xf32>
    %reduce_sum3A_71 = vector.extract %reduce_sum3A_70[0, 0] : f32 from vector<1x1xf32>
    %div3A_72 = arith.constant 1.024000e+03 : f32
    %div3A_73 = arith.divf %reduce_sum3A_71, %div3A_72 : f32
    %neg3A = arith.constant 0.000000e+00 : f32
    %neg3A_74 = arith.subf %neg3A, %div3A_73 : f32
    %broadcast_in_dim3A_75 = vector.broadcast %neg3A_74 : f32 to vector<1x1xf32>
    %swap3A_76 = arith.constant 0 : index
    %swap3A_77 = arith.constant 0 : index
    %swap3A_78 = vector.load %arg7[%swap3A_76, %swap3A_77] : memref<1x1xf32, #tpu.memory_space<vmem>>, vector<1x1xf32>
    tpu.vector_store %arg7[%swap3A_76, %swap3A_77], %broadcast_in_dim3A_75 {strides = array<i32>} : memref<1x1xf32, #tpu.memory_space<vmem>>, vector<1x1xf32>,
    return
  }
}

</mosaic_0001>

<sc_bundles>
// kernel: kernel.6.cloned.1.call-start
scs
__scs_entry_jumppad:
0x0: {  	(pc) =	sbr.rel $0x88, $3  }
0x1: {  	(tag) =	ssettag $0x0;
	lr =	simm.s32 $0x1  }
0x2: {  	[smem:$0x3F98] =	sst lr;
	_ =	strace $0xD0000000  }
0x3: {  	_ = 	snop  }
0x4: {  	_ = 	snop  }
0x5: {  	_ = 	snop  }
0x6: {  	_ = 	snop  }
0x7: {  	_ = 	snop  }
__scs_overlays_trampoline_lowered:
0x8: {  	[smem:$0x3FA7] =	sst s0  }
0x9: {  	[smem:$0x3FA8] =	sst s1  }
0xa: {  	[smem:$0x3FA9] =	sst s2  }
0xb: {  	[smem:$0x3FAA] =	sst s3  }
0xc: {  	[smem:$0x3FAB] =	sst s4  }
0xd: {  	[smem:$0x3FAC] =	sst s5  }
0xe: {  	[smem:$0x3FAD] =	sst s6  }
0xf: {  	[smem:$0x3FAE] =	sst s7  }
0x10: {  	[smem:$0x3FAF] =	sst s8  }
0x11: {  	[smem:$0x3FB0] =	sst s9;
	s0 =	simm.s32 @!p0 $0x0  }
0x12: {  	s1 =	sld [smem:$0x3F96];
	s0 =	simm.s32 @p0 $0x1  }
0x13: {  	[smem:$0x3FB1] =	sst s0;
	s0 =	simm.s32 @!p1 $0x0  }
0x14: {  	s2 =	sld [smem:$0x3F95];
	s0 =	simm.s32 @p1 $0x1  }
0x15: {  	[smem:$0x3FB2] =	sst s0;
	s0 =	simm.s32 @!p2 $0x0  }
0x16: {  	s3 =	sld [smem:$0x3FDB];
	s0 =	simm.s32 @p2 $0x1  }
0x17: {  	s4 =	simm.s32 $0x1BF5;
	[smem:$0x3FB4] =	sst s0  }
0x18: {  	s0 =	sld [smem:$0x3F97];
	_ =	swait.ge [sflag:s4], $0x0  }
0x19: {  	s7 =	sld [smem:$0x3F98]  }
0x1a: {  	s8 =	sadd.s32 $0xFFFFE003, lr  }
0x1b: {  	s9 =	sadd.s32 $0xFFFFFEF7, lr;
	s5 =	simm.s32 $0xFFFFFFFF;
	p2 =	slt.u32 s8, $0xFFFFF086  }
0x1c: {  	p1 =	slt.u32 s9, $0xF7A;
	s5 =	simm.s32 @!p2 $0x0  }
0x1d: {  	s5 =	simm.s32 @p1 $0x1;
	p0 =	seq.s32 s7, s2  }
0x1e: {  	s7 =	smul.u32 @!p0 $0xF7A, s2;
	p2 =	seq.s32 @!p0 s5, $0x0  }
0x1f: {  	s9 =	smul.u32 $0xF7A, s1;
	s8 =	simm.s32 @!p0 $0x1BF5;
	p2 =	por !p2, p0  }
0x20: {  	[sflag:s8] =	ssyncset.s32 @!p0 $0xFFFFF086;
	s6 =	sadd.s32 @!p0 s3, s7;
	s7 =	simm.s32 @!p0 $0x108  }
0x21: {  	s3 =	sadd.s32 s3, s9;
	s6 =	sadd.s32 @!p0 $0x88, s6;
	s7 =	simm.s32 @p2 $0x1082  }
0x22: {  	[simem:s7], [sflag:s8] =	dma.local @!p0 [hbm:s6], $0xF7A  }
0x23: {  	s9 =	sor.u32 $0xD0000000, s2;
	s6 =	simm.s32 $0x108;
	_ =	swait.ge @!p0 [sflag:s8], $0x0  }
0x24: {  	s3 =	sadd.s32 $0x88, s3;
	s6 =	simm.s32 @!p1 $0x1082;
	[sflag:s4] =	ssyncset.s32 $0xFFFFF086  }
0x25: {  	[simem:s6], [sflag:s4] =	dma.local [hbm:s3], $0xF7A  }
0x26: {  	[smem:$0x3F98] =	sst s1;
	(tag) =	ssettag s2;
	_ =	strace s9  }
0x27: {  	s1 =	sld [smem:$0x3FA8]  }
0x28: {  	s2 =	sld [smem:$0x3FA9]  }
0x29: {  	s4 =	sld [smem:$0x3FAB]  }
0x2a: {  	p0 =	seq.s32 s5, $0x0;
	s5 =	sld [smem:$0x3FAC]  }
0x2b: {  	s6 =	sld [smem:$0x3FAD]  }
0x2c: {  	s7 =	sld [smem:$0x3FAE]  }
0x2d: {  	s3 =	simm.s32 $0x108;
	s8 =	sld [smem:$0x3FAF]  }
0x2e: {  	s3 =	simm.s32 @!p0 $0x1082;
	s9 =	sld [smem:$0x3FB0]  }
0x2f: {  	lr =	sadd.s32 s0, s3;
	s0 =	sld [smem:$0x3FA7]  }
0x30: {  	s3 =	sld [smem:$0x3FAA]  }
0x31: {  	[smem:$0x3FB3] =	sst s10  }
0x32: {  	s10 =	sld [smem:$0x3FB1];
	_ =	sdelay $0x3  }
0x33: {  	p0 =	seq.s32 s10, $0x1;
	s10 =	sld [smem:$0x3FB3];
	_ =	sdelay $0x3  }
0x34: {  	[smem:$0x3FB3] =	sst s10  }
0x35: {  	s10 =	sld [smem:$0x3FB2];
	_ =	sdelay $0x3  }
0x36: {  	p1 =	seq.s32 s10, $0x1;
	s10 =	sld [smem:$0x3FB3];
	_ =	sdelay $0x3  }
0x37: {  	[smem:$0x3FB3] =	sst s10  }
0x38: {  	s10 =	sld [smem:$0x3FB4]  }
0x39: {  	_ = 	snop;
	(pc) =	sbr.ind lr, $3  }
0x3a: {  	_ = 	snop  }
0x3b: {  	_ = 	snop  }
0x3c: {  	p2 =	seq.s32 s10, $0x1;
	s10 =	sld [smem:$0x3FB3]  }
0x3d: {  	_ =	shalt  }
0x3e: {  	_ =	shalt  }
0x3f: {  	_ =	shalt  }
0x40: {  	_ =	shalt  }
0x41: {  	_ =	shalt  }
0x42: {  	_ =	shalt  }
0x43: {  	_ =	shalt  }
0x44: {  	_ =	shalt  }
0x45: {  	_ =	shalt  }
0x46: {  	_ =	shalt  }
0x47: {  	_ =	shalt  }
0x48: {  	_ =	shalt  }
0x49: {  	_ =	shalt  }
0x4a: {  	_ =	shalt  }
0x4b: {  	_ =	shalt  }
0x4c: {  	_ =	shalt  }
0x4d: {  	_ =	shalt  }
0x4e: {  	_ =	shalt  }
0x4f: {  	_ =	shalt  }
0x50: {  	_ =	shalt  }
0x51: {  	_ =	shalt  }
0x52: {  	_ =	shalt  }
0x53: {  	_ =	shalt  }
0x54: {  	_ =	shalt  }
0x55: {  	_ =	shalt  }
0x56: {  	_ =	shalt  }
0x57: {  	_ =	shalt  }
0x58: {  	_ =	shalt  }
0x59: {  	_ =	shalt  }
0x5a: {  	_ =	shalt  }
0x5b: {  	_ =	shalt  }
0x5c: {  	_ =	shalt  }
0x5d: {  	_ =	shalt  }
0x5e: {  	_ =	shalt  }
0x5f: {  	_ =	shalt  }
0x60: {  	_ =	shalt  }
0x61: {  	_ =	shalt  }
0x62: {  	_ =	shalt  }
0x63: {  	_ =	shalt  }
0x64: {  	_ =	shalt  }
0x65: {  	_ =	shalt  }
0x66: {  	_ =	shalt  }
0x67: {  	_ =	shalt  }
0x68: {  	_ =	shalt  }
0x69: {  	_ =	shalt  }
0x6a: {  	_ =	shalt  }
0x6b: {  	_ =	shalt  }
0x6c: {  	_ =	shalt  }
0x6d: {  	_ =	shalt  }
0x6e: {  	_ =	shalt  }
0x6f: {  	_ =	shalt  }
0x70: {  	_ =	shalt  }
0x71: {  	_ =	shalt  }
0x72: {  	_ =	shalt  }
0x73: {  	_ =	shalt  }
0x74: {  	_ =	shalt  }
0x75: {  	_ =	shalt  }
0x76: {  	_ =	shalt  }
0x77: {  	_ =	shalt  }
0x78: {  	_ =	shalt  }
0x79: {  	_ =	shalt  }
0x7a: {  	_ =	shalt  }
0x7b: {  	_ =	shalt  }
0x7c: {  	_ =	shalt  }
0x7d: {  	_ =	shalt  }
0x7e: {  	_ =	shalt  }
0x7f: {  	_ =	shalt  }
0x80: {  	_ =	shalt  }
0x81: {  	_ =	shalt  }
0x82: {  	_ =	shalt  }
0x83: {  	_ =	shalt  }
0x84: {  	_ =	shalt  }
0x85: {  	_ =	shalt  }
0x86: {  	_ =	shalt  }
0x87: {  	_ =	shalt  }
.Lfunc_end0:
.L_simem_size_0:
called_computation_lowered:
.L_overlay_start_0:
0x88: {  	s2 =	sld [smem:$0x3FD9]  }
0x89: {  	s3 =	sld [smem:$0x3FFE];
	_ =	sdelay $0x1  }
0x8a: {  	s1 =	srdreg.scid  }
0x8b: {  	s0 =	sand.u32 $0x1, s1  }
0x8c: {  	s17 =	sshll.u32 s0, $0xA;
	s2 =	sadd.s32 s3, s2  }
0x8d: {  	s2 =	sadd.s32 s2, s17  }
0x8e: {  	[smem:$0x3FBF] =	sst s2  }
0x8f: {  	_ = 	snop  }
0x90: {  	s2 =	sld [smem:$0x3FC7]  }
0x91: {  	s18 =	sld [smem:$0x3FC5];
	(tm) =	ssettm $0x1  }
0x92: {  	s4 =	sld [smem:$0x3FFB];
	_ =	sdelay $0x3  }
0x93: {  	_ =	strace s4  }
0x94: {  	s4 =	sld [smem:$0x3FFC];
	_ =	sdelay $0x3  }
0x95: {  	_ =	strace s4  }
0x96: {  	s4 =	sld [smem:$0x3FFD];
	_ =	sdelay $0x3  }
0x97: {  	_ =	strace s4  }
0x98: {  	_ =	strace $0x8FFFFFFF  }
0x99: {  	s19 =	sld [smem:$0x3FDB];
	_ =	sdelay $0x1  }
0x9a: {  	s5 =	simm.s32 $_scs_section_size  }
0x9b: {  	s6 =	simm.s32 $_size__tile_overlayer_lowered;
	s7 =	simm.s32 $_tile_overlayer_lowered  }
0x9c: {  	s22 =	simm.s32 $0x1BFF;
	s21 =	sshll.u32 s7, $0x1;
	s4 =	sadd.s32 s5, s19  }
0x9d: {  	s8 =	simm.s32 $0x0;
	s20 =	sshll.u32 s6, $0x1;
	s6 =	sadd.s32 s21, s4  }
0x9e: {  	[timem:s8], [sflag:s22] =	dma.local [hbm:s6], s20  }
0x9f: {  	_ =	swait.ge [sflag:s22], s20  }
0xa0: {  	s5 =	ssub.s32 $0x0, s20;
	[sflag:s22] =	ssyncset.done $0x0  }
0xa1: {  	[sflag:s22] =	ssyncadd.s32 s5;
	_ =	sdelay $0x1  }
0xa2: {  	s23 =	simm.s32 $0x1B8B  }
0xa3: {  	_ =	swait.ge [sflag:s23], $0x1  }
0xa4: {  	[sflag:s23] =	ssyncset.done $0x0  }
0xa5: {  	s25 =	simm.s32 $0x1B8E;
	s24 =	sld [smem:$0x3FFE];
	[sflag:s23] =	ssyncadd.s32 $0xFFFFFFFF  }
0xa6: {  	s26 =	simm.s32 $execute0_lowered;
	[smem:$0x3FD2] =	sst s25  }
0xa7: {  	s6 =	sshll.u32 s26, $0x1;
	_ =	strace $0x80000046;
	[dreg:$0x1] =	wrdreg $0xFFFFFFFF  }
0xa8: {  	s28 =	simm.s32 $_size_execute0_lowered;
	s4 =	sadd.s32 s4, s6;
	[dreg:$0x0] =	wrdreg $0x0  }
0xa9: {  	s6 =	sshll.u32 s28, $0x1;
	[dreg:$0x2] =	wrdreg s4  }
0xaa: {  	[dreg:$0x3] =	wrdreg s6  }
0xab: {  	[dreg:$0x4] =	wrdreg $0xC0  }
0xac: {  	_ =	task [dreg:s8], $0x5FFFF  }
0xad: {  	[dreg:$0x1] =	wrdreg $0xFFFFFFFF  }
0xae: {  	[dreg:$0x0] =	wrdreg $0x60  }
0xaf: {  	[dreg:$0x2] =	wrdreg s2  }
0xb0: {  	[dreg:$0x3] =	wrdreg s18  }
0xb1: {  	[dreg:$0x4] =	wrdreg s24  }
0xb2: {  	[dreg:$0x5] =	wrdreg $0x9  }
0xb3: {  	_ =	task.clear_ibuf [dreg:s8], $0x6FFFF;
	_ =	strace $0x90000046  }
0xb4: {  	s29 =	simm.s32 $0x9;
	_ =	strace $0x80000048  }
0xb5: {  	_ =	swait.ge [sflag:s29], $0x1  }
0xb6: {  	[sflag:s29] =	ssyncadd.s32 $0xFFFFFFFF  }
0xb7: {  	_ =	strace $0x90000048  }
0xb8: {  	_ =	sfence  }
0xb9: {  	s30 =	sld [smem:$0x0];
	_ =	sdelay $0x2  }
0xba: {  	s31 =	sshll.u32 s1, $0xD;
	s1 =	sshrl.u32 s1, $0x2  }
0xbb: {  	s3 =	sand.u32 $0x4000, s31;
	s1 =	sadd.s32 s1, s30  }
0xbc: {  	s0 =	sor.u32 s3, s0;
	s1 =	sshll.u32 s1, $0x11  }
0xbd: {  	s0 =	sor.u32 s1, s0  }
0xbe: {  	s0 =	sadd.s32 $0x8F2B, s0  }
0xbf: {  	[sflag:s0] =	ssyncadd.remote.s32 $0x1  }
0xc0: {  	_ =	sfence.sel $0xFFFF  }
0xc1: {  	[dreg:$0x0] =	wrdreg $0xFFFFFFFF;
	(pc) =	sbr.abs _section_cstart, $3  }
0xc2: {  	[dreg:$0x1] =	wrdreg $0xFFFFFFFF  }
0xc3: {  	_ =	task.clear_ibuf [dreg:s8], $0x2FFFF;
	_ =	strace $0x9FFFFFFF  }
0xc4: {  	(tm) =	ssettm $0x7FFFFFFF  }
0xc5: {  	_ =	shalt  }
tec
execute0_lowered:
.L_overlay_start_1:
0x0: {  	(tag) =	ssettag $0x1  }
0x1: {  	s1 =	rddreg [dreg:$0x0]  }
0x2: {  	s3 =	rddreg [dreg:$0x1];
	s0 =	srdreg.scid  }
0x3: {  	s11 =	stileid.u32;
	s2 =	rddreg [dreg:$0x2]  }
0x4: {  	s4 =	simm.s32 $0x0;
	s12 =	simm.s32 $0x40;
	s13 =	simm.s32 $0x5680  }
0x5: {  	s18 =	simm.s32 $0x5C00;
	s19 =	simm.s32 $0x5C0;
	s20 =	simm.s32 $0x5C40  }
0x6: {  	s21 =	simm.s32 $0x600;
	s22 =	simm.s32 $0x5C80;
	s23 =	simm.s32 $0x680  }
0x7: {  	s28 =	simm.s32 $0x3;
	s29 =	simm.s32 $0x2;
	s30 =	simm.s32 $0x4  }
0x8: {  	s31 =	simm.s32 $0x5F0;
	s0 =	sand.u32 $0x1, s0;
	s5 =	sshll.u32 s11, $0x1  }
0x9: {  	[smem:$0x7FF] =	sst s4;
	s8 =	sadd.s32 $0x3800, s2;
	s24 =	smul.u32 $0xC800, s11  }
0xa: {  	s5 =	sor.u32 s0, s5;
	s7 =	ssub.s32 $0x2, s0;
	s0 =	smul.u32 $0x6400, s0  }
0xb: {  	s11 =	simm.s32 $0x6;
	_ =	strace $0x80000047;
	s6 =	smul.u32 $0x640, s5  }
0xc: {  	s9 =	sshrl.u32 s7, $0x1;
	s10 =	smul.u32 $0x6400, s5;
	s26 =	sadd.s32 s24, s8  }
0xd: {  	s24 =	simm.s32 $0x50;
	s7 =	ssub.s32 s7, s9;
	s6 =	sshrl.u32 s6, $0x3  }
0xe: {  	s7 =	smax.u32 s7, $0x1;
	s25 =	sadd.s32 s8, s10;
	s10 =	sadd.s32 s0, s26  }
0xf: {  	s26 =	simm.s32 $0x1;
	s0 =	simm.s32 $0x0;
	s2 =	sadd.s32 s6, s2  }
0x10: {  	s8 =	sadd.s32 $0x5A00, s25;
	s9 =	sadd.s32 $0x5F00, s25;
	s25 =	simm.s32 $0x2E80  }
0x11: {  	s5 =	sadd.s32 $0x1E00, s2;
	s6 =	sadd.s32 $0xCB800, s2;
	s2 =	simm.s32 $0x5  }
.LBB2_1:
0x12: {  	[tilespmem:s4], [sflag:$0x6] =	stream.linear.gather [hbm4b:s5+s4], $0x640, $0x38;
	[tilespmem:$0x5D00] =	vst v63  }
0x13: {  	_ =	swait.ge [sflag:s11], $0x640  }
0x14: {  	[sflag:s11] =	ssyncset.done $0x0  }
0x15: {  	[sflag:s11] =	ssyncadd.s32 $0xFFFFF9C0  }
0x16: {  	[tilespmem:s13], [sflag:$0x5] =	stream.indirect.gather [hbm4b:s3+s12], $0x1, s4, s12, $0xb8;
	[tilespmem:$0x5D00] =	vst v63  }
0x17: {  	s14 =	simm.s32 $0x56C0  }
0x18: {  	[tilespmem:s14], [sflag:$0x5] =	stream.indirect.gather [hbm4b:s3+s12], $0x1, s12, s12, $0xb8;
	[tilespmem:$0x5D00] =	vst v63  }
0x19: {  	s17 =	simm.s32 $0x80;
	s15 =	simm.s32 $0x5700  }
0x1a: {  	[tilespmem:s15], [sflag:$0x5] =	stream.indirect.gather [hbm4b:s3+s12], $0x1, s17, s12, $0xb8;
	[tilespmem:$0x5D00] =	vst v63  }
0x1b: {  	s16 =	simm.s32 $0xC0;
	s17 =	simm.s32 $0x5740  }
0x1c: {  	[tilespmem:s17], [sflag:$0x5] =	stream.indirect.gather [hbm4b:s3+s12], $0x1, s16, s12, $0xb8;
	[tilespmem:$0x5D00] =	vst v63  }
0x1d: {  	s16 =	simm.s32 $0x100;
	s17 =	simm.s32 $0x5780  }
0x1e: {  	[tilespmem:s17], [sflag:$0x5] =	stream.indirect.gather [hbm4b:s3+s12], $0x1, s16, s12, $0xb8;
	[tilespmem:$0x5D00] =	vst v63  }
0x1f: {  	s16 =	simm.s32 $0x140;
	s17 =	simm.s32 $0x57C0  }
0x20: {  	[tilespmem:s17], [sflag:$0x5] =	stream.indirect.gather [hbm4b:s3+s12], $0x1, s16, s12, $0xb8;
	[tilespmem:$0x5D00] =	vst v63  }
0x21: {  	s16 =	simm.s32 $0x180;
	s17 =	simm.s32 $0x5800  }
0x22: {  	[tilespmem:s17], [sflag:$0x5] =	stream.indirect.gather [hbm4b:s3+s12], $0x1, s16, s12, $0xb8;
	[tilespmem:$0x5D00] =	vst v63  }
0x23: {  	s16 =	simm.s32 $0x1C0;
	s17 =	simm.s32 $0x5840  }
0x24: {  	[tilespmem:s17], [sflag:$0x5] =	stream.indirect.gather [hbm4b:s3+s12], $0x1, s16, s12, $0xb8;
	[tilespmem:$0x5D00] =	vst v63  }
0x25: {  	s16 =	simm.s32 $0x200;
	s17 =	simm.s32 $0x5880  }
0x26: {  	[tilespmem:s17], [sflag:$0x5] =	stream.indirect.gather [hbm4b:s3+s12], $0x1, s16, s12, $0xb8;
	[tilespmem:$0x5D00] =	vst v63  }
0x27: {  	s16 =	simm.s32 $0x240;
	s17 =	simm.s32 $0x58C0  }
0x28: {  	[tilespmem:s17], [sflag:$0x5] =	stream.indirect.gather [hbm4b:s3+s12], $0x1, s16, s12, $0xb8;
	[tilespmem:$0x5D00] =	vst v63  }
0x29: {  	s16 =	simm.s32 $0x280;
	s17 =	simm.s32 $0x5900  }
0x2a: {  	[tilespmem:s17], [sflag:$0x5] =	stream.indirect.gather [hbm4b:s3+s12], $0x1, s16, s12, $0xb8;
	[tilespmem:$0x5D00] =	vst v63  }
0x2b: {  	s16 =	simm.s32 $0x2C0;
	s17 =	simm.s32 $0x5940  }
0x2c: {  	[tilespmem:s17], [sflag:$0x5] =	stream.indirect.gather [hbm4b:s3+s12], $0x1, s16, s12, $0xb8;
	[tilespmem:$0x5D00] =	vst v63  }
0x2d: {  	s16 =	simm.s32 $0x300;
	s17 =	simm.s32 $0x5980  }
0x2e: {  	[tilespmem:s17], [sflag:$0x5] =	stream.indirect.gather [hbm4b:s3+s12], $0x1, s16, s12, $0xb8;
	[tilespmem:$0x5D00] =	vst v63  }
0x2f: {  	s16 =	simm.s32 $0x340;
	s17 =	simm.s32 $0x59C0  }
0x30: {  	[tilespmem:s17], [sflag:$0x5] =	stream.indirect.gather [hbm4b:s3+s12], $0x1, s16, s12, $0xb8;
	[tilespmem:$0x5D00] =	vst v63  }
0x31: {  	s16 =	simm.s32 $0x380;
	s17 =	simm.s32 $0x5A00  }
0x32: {  	[tilespmem:s17], [sflag:$0x5] =	stream.indirect.gather [hbm4b:s3+s12], $0x1, s16, s12, $0xb8;
	[tilespmem:$0x5D00] =	vst v63  }
0x33: {  	s16 =	simm.s32 $0x3C0;
	s17 =	simm.s32 $0x5A40  }
0x34: {  	[tilespmem:s17], [sflag:$0x5] =	stream.indirect.gather [hbm4b:s3+s12], $0x1, s16, s12, $0xb8;
	[tilespmem:$0x5D00] =	vst v63  }
0x35: {  	s16 =	simm.s32 $0x400;
	s17 =	simm.s32 $0x5A80  }
0x36: {  	[tilespmem:s17], [sflag:$0x5] =	stream.indirect.gather [hbm4b:s3+s12], $0x1, s16, s12, $0xb8;
	[tilespmem:$0x5D00] =	vst v63  }
0x37: {  	s16 =	simm.s32 $0x440;
	s17 =	simm.s32 $0x5AC0  }
0x38: {  	[tilespmem:s17], [sflag:$0x5] =	stream.indirect.gather [hbm4b:s3+s12], $0x1, s16, s12, $0xb8;
	[tilespmem:$0x5D00] =	vst v63  }
0x39: {  	s16 =	simm.s32 $0x480;
	s17 =	simm.s32 $0x5B00  }
0x3a: {  	[tilespmem:s17], [sflag:$0x5] =	stream.indirect.gather [hbm4b:s3+s12], $0x1, s16, s12, $0xb8;
	[tilespmem:$0x5D00] =	vst v63  }
0x3b: {  	s16 =	simm.s32 $0x4C0;
	s17 =	simm.s32 $0x5B40  }
0x3c: {  	[tilespmem:s17], [sflag:$0x5] =	stream.indirect.gather [hbm4b:s3+s12], $0x1, s16, s12, $0xb8;
	[tilespmem:$0x5D00] =	vst v63  }
0x3d: {  	s16 =	simm.s32 $0x500;
	s17 =	simm.s32 $0x5B80  }
0x3e: {  	[tilespmem:s17], [sflag:$0x5] =	stream.indirect.gather [hbm4b:s3+s12], $0x1, s16, s12, $0xb8;
	[tilespmem:$0x5D00] =	vst v63  }
0x3f: {  	s16 =	simm.s32 $0x540;
	s17 =	simm.s32 $0x5BC0  }
0x40: {  	[tilespmem:s17], [sflag:$0x5] =	stream.indirect.gather [hbm4b:s3+s12], $0x1, s16, s12, $0xb8;
	[tilespmem:$0x5D00] =	vst v63  }
0x41: {  	s15 =	simm.s32 $0x580  }
0x42: {  	[tilespmem:s18], [sflag:$0x5] =	stream.indirect.gather [hbm4b:s3+s12], $0x1, s15, s12, $0xb8;
	[tilespmem:$0x5D00] =	vst v63  }
0x43: {  	_ = 	snop  }
0x44: {  	[tilespmem:s20], [sflag:$0x5] =	stream.indirect.gather [hbm4b:s3+s12], $0x1, s19, s12, $0xb8;
	[tilespmem:$0x5D00] =	vst v63  }
0x45: {  	_ = 	snop  }
0x46: {  	[tilespmem:s22], [sflag:$0x5] =	stream.indirect.gather [hbm4b:s3+s12], $0x1, s21, s12, $0xb8;
	[tilespmem:$0x5D00] =	vst v63  }
0x47: {  	_ = 	snop  }
0x48: {  	[tilespmem:s23], [sflag:$0x1] =	stream.indirect.gather [hbm4b:s1+s24], $0x80, s4, s24, $0xb8;
	[tilespmem:$0x5D00] =	vst v63  }
0x49: {  	_ = 	snop  }
0x4a: {  	[tilespmem:s25], [sflag:$0x2] =	stream.indirect.gather [hbm4b:s1+s24], $0x80, s24, s24, $0xb8;
	[tilespmem:$0x5D00] =	vst v63  }
0x4b: {  	_ =	swait.ge [sflag:s26], $0x2800  }
0x4c: {  	[sflag:s26] =	ssyncset.done $0x0  }
0x4d: {  	s16 =	sadd.s32 $0x0, s10;
	[sflag:s26] =	ssyncadd.s32 $0xFFFFD800  }
0x4e: {  	[hbm4b:s16+s4] =	stream.linear.scatter [tilespmem:s23], [sflag:$0x3], $0x2800, $0x38;
	[tilespmem:$0x5D00] =	vst v63  }
0x4f: {  	_ =	swait.ge [sflag:s28], $0x2800  }
0x50: {  	[sflag:s28] =	ssyncset.done $0x0  }
0x51: {  	s17 =	simm.s32 $0xA0;
	[sflag:s28] =	ssyncadd.s32 $0xFFFFD800  }
0x52: {  	[tilespmem:s23], [sflag:$0x1] =	stream.indirect.gather [hbm4b:s1+s24], $0x80, s17, s24, $0xb8;
	[tilespmem:$0x5D00] =	vst v63  }
0x53: {  	_ =	swait.ge [sflag:s29], $0x2800  }
0x54: {  	[sflag:s29] =	ssyncset.done $0x0  }
0x55: {  	s14 =	sadd.s32 $0x500, s16;
	[sflag:s29] =	ssyncadd.s32 $0xFFFFD800  }
0x56: {  	[hbm4b:s14+s4] =	stream.linear.scatter [tilespmem:s25], [sflag:$0x4], $0x2800, $0x38;
	[tilespmem:$0x5D00] =	vst v63  }
0x57: {  	_ =	swait.ge [sflag:s30], $0x2800  }
0x58: {  	s15 =	simm.s32 $0x50;
	s14 =	simm.s32 $0xA00;
	[sflag:s30] =	ssyncset.done $0x0  }
.LBB2_2:
0x59: {  	p0 =	sne.s32 s14, $0x5000;
	[sflag:s30] =	ssyncadd.s32 $0xFFFFD800;
	s15 =	sadd.s32 $0xA0, s15  }
0x5a: {  	[tilespmem:s25], [sflag:$0x2] =	stream.indirect.gather [hbm4b:s1+s24], $0x80, s15, s24, $0xb8;
	[tilespmem:$0x5D00] =	vst v63  }
0x5b: {  	s16 =	smov.u32 s14;
	s14 =	sadd.s32 $0xA00, s14;
	_ =	swait.ge [sflag:s26], $0x2800  }
0x5c: {  	[sflag:s26] =	ssyncset.done $0x0  }
0x5d: {  	s16 =	sadd.s32 s16, s10;
	[sflag:s26] =	ssyncadd.s32 $0xFFFFD800  }
0x5e: {  	[hbm4b:s16+s4] =	stream.linear.scatter [tilespmem:s23], [sflag:$0x3], $0x2800, $0x38;
	[tilespmem:$0x5D00] =	vst v63  }
0x5f: {  	_ =	swait.ge [sflag:s28], $0x2800  }
0x60: {  	[sflag:s28] =	ssyncset.done $0x0  }
0x61: {  	s17 =	sadd.s32 $0x50, s15;
	[sflag:s28] =	ssyncadd.s32 $0xFFFFD800  }
0x62: {  	[tilespmem:s23], [sflag:$0x1] =	stream.indirect.gather [hbm4b:s1+s24], $0x80, s17, s24, $0xb8;
	[tilespmem:$0x5D00] =	vst v63  }
0x63: {  	_ =	swait.ge [sflag:s29], $0x2800  }
.Ltmp0:
0x64: {  	[sflag:s29] =	ssyncset.done $0x0;
	(pc) =	sbr.rel @p0 .LBB2_2-.Ltmp0, $4  }
0x65: {  	s16 =	sadd.s32 $0x500, s16;
	[sflag:s29] =	ssyncadd.s32 $0xFFFFD800  }
0x66: {  	[hbm4b:s16+s4] =	stream.linear.scatter [tilespmem:s25], [sflag:$0x4], $0x2800, $0x38;
	[tilespmem:$0x5D00] =	vst v63  }
0x67: {  	_ =	swait.ge [sflag:s30], $0x2800  }
0x68: {  	[sflag:s30] =	ssyncset.done $0x0  }
0x69: {  	[sflag:s30] =	ssyncadd.s32 $0xFFFFD800  }
0x6a: {  	[tilespmem:s25], [sflag:$0x2] =	stream.indirect.gather [hbm4b:s1+s24], $0x80, s31, s24, $0xb8;
	[tilespmem:$0x5D00] =	vst v63  }
0x6b: {  	_ =	swait.ge [sflag:s26], $0x2800  }
0x6c: {  	[sflag:s26] =	ssyncset.done $0x0  }
0x6d: {  	[sflag:s26] =	ssyncadd.s32 $0xFFFFD800  }
0x6e: {  	[hbm4b:s8+s4] =	stream.linear.scatter [tilespmem:s23], [sflag:$0x3], $0x2800, $0x38;
	[tilespmem:$0x5D00] =	vst v63  }
0x6f: {  	_ =	swait.ge [sflag:s28], $0x2800  }
0x70: {  	[sflag:s28] =	ssyncset.done $0x0  }
0x71: {  	[sflag:s28] =	ssyncadd.s32 $0xFFFFD800  }
0x72: {  	_ =	swait.ge [sflag:s29], $0x2800  }
0x73: {  	[sflag:s29] =	ssyncset.done $0x0  }
0x74: {  	[sflag:s29] =	ssyncadd.s32 $0xFFFFD800  }
0x75: {  	[hbm4b:s9+s4] =	stream.linear.scatter [tilespmem:s25], [sflag:$0x4], $0x2800, $0x38;
	[tilespmem:$0x5D00] =	vst v63  }
0x76: {  	_ =	swait.ge [sflag:s30], $0x2800  }
0x77: {  	[sflag:s30] =	ssyncset.done $0x0  }
0x78: {  	[sflag:s30] =	ssyncadd.s32 $0xFFFFD800  }
0x79: {  	_ =	swait.ge [sflag:s2], $0x40  }
0x7a: {  	[sflag:s2] =	ssyncset.done $0x0  }
0x7b: {  	[sflag:s2] =	ssyncadd.s32 $0xFFFFFFC0  }
0x7c: {  	_ =	swait.ge [sflag:s2], $0x40  }
0x7d: {  	[sflag:s2] =	ssyncset.done $0x0  }
0x7e: {  	[sflag:s2] =	ssyncadd.s32 $0xFFFFFFC0  }
0x7f: {  	_ =	swait.ge [sflag:s2], $0x40  }
0x80: {  	[sflag:s2] =	ssyncset.done $0x0  }
0x81: {  	[sflag:s2] =	ssyncadd.s32 $0xFFFFFFC0  }
0x82: {  	_ =	swait.ge [sflag:s2], $0x40  }
0x83: {  	[sflag:s2] =	ssyncset.done $0x0  }
0x84: {  	[sflag:s2] =	ssyncadd.s32 $0xFFFFFFC0  }
0x85: {  	_ =	swait.ge [sflag:s2], $0x40  }
0x86: {  	[sflag:s2] =	ssyncset.done $0x0  }
0x87: {  	[sflag:s2] =	ssyncadd.s32 $0xFFFFFFC0  }
0x88: {  	_ =	swait.ge [sflag:s2], $0x40  }
0x89: {  	[sflag:s2] =	ssyncset.done $0x0  }
0x8a: {  	[sflag:s2] =	ssyncadd.s32 $0xFFFFFFC0  }
0x8b: {  	_ =	swait.ge [sflag:s2], $0x40  }
0x8c: {  	[sflag:s2] =	ssyncset.done $0x0  }
0x8d: {  	[sflag:s2] =	ssyncadd.s32 $0xFFFFFFC0  }
0x8e: {  	_ =	swait.ge [sflag:s2], $0x40  }
0x8f: {  	[sflag:s2] =	ssyncset.done $0x0  }
0x90: {  	[sflag:s2] =	ssyncadd.s32 $0xFFFFFFC0  }
0x91: {  	_ =	swait.ge [sflag:s2], $0x40  }
0x92: {  	[sflag:s2] =	ssyncset.done $0x0  }
0x93: {  	[sflag:s2] =	ssyncadd.s32 $0xFFFFFFC0  }
0x94: {  	_ =	swait.ge [sflag:s2], $0x40  }
0x95: {  	[sflag:s2] =	ssyncset.done $0x0  }
0x96: {  	[sflag:s2] =	ssyncadd.s32 $0xFFFFFFC0  }
0x97: {  	_ =	swait.ge [sflag:s2], $0x40  }
0x98: {  	[sflag:s2] =	ssyncset.done $0x0  }
0x99: {  	[sflag:s2] =	ssyncadd.s32 $0xFFFFFFC0  }
0x9a: {  	_ =	swait.ge [sflag:s2], $0x40  }
0x9b: {  	[sflag:s2] =	ssyncset.done $0x0  }
0x9c: {  	[sflag:s2] =	ssyncadd.s32 $0xFFFFFFC0  }
0x9d: {  	_ =	swait.ge [sflag:s2], $0x40  }
0x9e: {  	[sflag:s2] =	ssyncset.done $0x0  }
0x9f: {  	[sflag:s2] =	ssyncadd.s32 $0xFFFFFFC0  }
0xa0: {  	_ =	swait.ge [sflag:s2], $0x40  }
0xa1: {  	[sflag:s2] =	ssyncset.done $0x0  }
0xa2: {  	[sflag:s2] =	ssyncadd.s32 $0xFFFFFFC0  }
0xa3: {  	_ =	swait.ge [sflag:s2], $0x40  }
0xa4: {  	[sflag:s2] =	ssyncset.done $0x0  }
0xa5: {  	[sflag:s2] =	ssyncadd.s32 $0xFFFFFFC0  }
0xa6: {  	_ =	swait.ge [sflag:s2], $0x40  }
0xa7: {  	[sflag:s2] =	ssyncset.done $0x0  }
0xa8: {  	[sflag:s2] =	ssyncadd.s32 $0xFFFFFFC0  }
0xa9: {  	_ =	swait.ge [sflag:s2], $0x40  }
0xaa: {  	[sflag:s2] =	ssyncset.done $0x0  }
0xab: {  	[sflag:s2] =	ssyncadd.s32 $0xFFFFFFC0  }
0xac: {  	_ =	swait.ge [sflag:s2], $0x40  }
0xad: {  	[sflag:s2] =	ssyncset.done $0x0  }
0xae: {  	[sflag:s2] =	ssyncadd.s32 $0xFFFFFFC0  }
0xaf: {  	_ =	swait.ge [sflag:s2], $0x40  }
0xb0: {  	[sflag:s2] =	ssyncset.done $0x0  }
0xb1: {  	[sflag:s2] =	ssyncadd.s32 $0xFFFFFFC0  }
0xb2: {  	_ =	swait.ge [sflag:s2], $0x40  }
0xb3: {  	[sflag:s2] =	ssyncset.done $0x0  }
0xb4: {  	[sflag:s2] =	ssyncadd.s32 $0xFFFFFFC0  }
0xb5: {  	_ =	swait.ge [sflag:s2], $0x40  }
0xb6: {  	[sflag:s2] =	ssyncset.done $0x0  }
0xb7: {  	[sflag:s2] =	ssyncadd.s32 $0xFFFFFFC0  }
0xb8: {  	_ =	swait.ge [sflag:s2], $0x40  }
0xb9: {  	[sflag:s2] =	ssyncset.done $0x0  }
0xba: {  	[sflag:s2] =	ssyncadd.s32 $0xFFFFFFC0  }
0xbb: {  	_ =	swait.ge [sflag:s2], $0x40  }
0xbc: {  	[sflag:s2] =	ssyncset.done $0x0  }
0xbd: {  	[sflag:s2] =	ssyncadd.s32 $0xFFFFFFC0  }
0xbe: {  	_ =	swait.ge [sflag:s2], $0x40  }
0xbf: {  	[sflag:s2] =	ssyncset.done $0x0  }
0xc0: {  	[sflag:s2] =	ssyncadd.s32 $0xFFFFFFC0  }
0xc1: {  	s0 =	sadd.s32 $0x1, s0;
	_ =	swait.ge [sflag:s2], $0x40  }
0xc2: {  	p0 =	sne.s32 s0, s7;
	[sflag:s2] =	ssyncset.done $0x0  }
.Ltmp1:
0xc3: {  	[sflag:s2] =	ssyncadd.s32 $0xFFFFFFC0;
	(pc) =	sbr.rel @p0 .LBB2_1-.Ltmp1, $4  }
0xc4: {  	[hbm4b:s6+s4] =	stream.linear.scatter [tilespmem:s13], [sflag:$0x6], $0x640, $0x38;
	[tilespmem:$0x5D00] =	vst v63  }
0xc5: {  	_ =	swait.ge [sflag:s11], $0x640  }
0xc6: {  	[sflag:s11] =	ssyncset.done $0x0  }
0xc7: {  	[sflag:s11] =	ssyncadd.s32 $0xFFFFF9C0  }
0xc8: {  	_ =	sfence.sel $0x180000  }
0xc9: {  	[bflag:$0x0] =	sbarrier.arrive $0xFFFF  }
0xca: {  	_ =	strace $0x90000047  }
0xcb: {  	s0 =	stileid.u32;
	[bflag:$0x2] =	sbarrier.arrive $0xFFFF  }
0xcc: {  	p0 =	sne.s32 s0, $0x0;
	s0 =	rddreg [dreg:$0x3]  }
0xcd: {  	s0 =	sadd.s32 @!p0 $0x100000, s0  }
0xce: {  	[sflag:s0] =	ssyncadd.tile.s32 @!p0 $0x1;
	_ =	shalt  }
.Lfunc_end2:
_tile_overlayer_lowered:
.L_overlay_start_2:
0xcf: {  	(tag) =	ssettag $0x2  }
0xd0: {  	s0 =	rddreg [dreg:$0x0];
	s2 =	stileid.u32  }
0xd1: {  	s1 =	rddreg [dreg:$0x1];
	p0 =	sne.s32 s2, $0x0  }
0xd2: {  	s3 =	rddreg [dreg:$0x2];
	[bflag:$0x3] =	sbarrier.arrive $0xFFFF;
	s2 =	simm.s32 @!p0 $0x1C06  }
0xd3: {  	[timem:s3], [sflag:s2] =	dma.local @!p0 [hbm:s0], s1  }
0xd4: {  	s0 =	simm.s32 @!p0 $0x6  }
0xd5: {  	_ =	swait.ge @!p0 [sflag:s0], s1  }
0xd6: {  	s1 =	ssub.s32 @!p0 $0x0, s1;
	[sflag:s0] =	ssyncset.done @!p0 $0x0  }
0xd7: {  	[sflag:s0] =	ssyncadd.s32 @!p0 s1  }
0xd8: {  	[bflag:$0x3] =	sbarrier.arrive $0xFFFF  }
0xd9: {  	_ =	shalt  }

// kernel: kernel.9.cloned.1.call-start
scs
__scs_entry_jumppad:
0x0: {  	(pc) =	sbr.rel $0x88, $3  }
0x1: {  	(tag) =	ssettag $0x0;
	lr =	simm.s32 $0x1  }
0x2: {  	[smem:$0x3F98] =	sst lr;
	_ =	strace $0xD0000000  }
0x3: {  	_ = 	snop  }
0x4: {  	_ = 	snop  }
0x5: {  	_ = 	snop  }
0x6: {  	_ = 	snop  }
0x7: {  	_ = 	snop  }
__scs_overlays_trampoline_lowered:
0x8: {  	[smem:$0x3FA7] =	sst s0  }
0x9: {  	[smem:$0x3FA8] =	sst s1  }
0xa: {  	[smem:$0x3FA9] =	sst s2  }
0xb: {  	[smem:$0x3FAA] =	sst s3  }
0xc: {  	[smem:$0x3FAB] =	sst s4  }
0xd: {  	[smem:$0x3FAC] =	sst s5  }
0xe: {  	[smem:$0x3FAD] =	sst s6  }
0xf: {  	[smem:$0x3FAE] =	sst s7  }
0x10: {  	[smem:$0x3FAF] =	sst s8  }
0x11: {  	[smem:$0x3FB0] =	sst s9;
	s0 =	simm.s32 @!p0 $0x0  }
0x12: {  	s1 =	sld [smem:$0x3F96];
	s0 =	simm.s32 @p0 $0x1  }
0x13: {  	[smem:$0x3FB1] =	sst s0;
	s0 =	simm.s32 @!p1 $0x0  }
0x14: {  	s2 =	sld [smem:$0x3F95];
	s0 =	simm.s32 @p1 $0x1  }
0x15: {  	[smem:$0x3FB2] =	sst s0;
	s0 =	simm.s32 @!p2 $0x0  }
0x16: {  	s3 =	sld [smem:$0x3FDB];
	s0 =	simm.s32 @p2 $0x1  }
0x17: {  	s4 =	simm.s32 $0x1BF5;
	[smem:$0x3FB4] =	sst s0  }
0x18: {  	s0 =	sld [smem:$0x3F97];
	_ =	swait.ge [sflag:s4], $0x0  }
0x19: {  	s7 =	sld [smem:$0x3F98]  }
0x1a: {  	s8 =	sadd.s32 $0xFFFFE003, lr  }
0x1b: {  	s9 =	sadd.s32 $0xFFFFFEF7, lr;
	s5 =	simm.s32 $0xFFFFFFFF;
	p2 =	slt.u32 s8, $0xFFFFF086  }
0x1c: {  	p1 =	slt.u32 s9, $0xF7A;
	s5 =	simm.s32 @!p2 $0x0  }
0x1d: {  	s5 =	simm.s32 @p1 $0x1;
	p0 =	seq.s32 s7, s2  }
0x1e: {  	s7 =	smul.u32 @!p0 $0xF7A, s2;
	p2 =	seq.s32 @!p0 s5, $0x0  }
0x1f: {  	s9 =	smul.u32 $0xF7A, s1;
	s8 =	simm.s32 @!p0 $0x1BF5;
	p2 =	por !p2, p0  }
0x20: {  	[sflag:s8] =	ssyncset.s32 @!p0 $0xFFFFF086;
	s6 =	sadd.s32 @!p0 s3, s7;
	s7 =	simm.s32 @!p0 $0x108  }
0x21: {  	s3 =	sadd.s32 s3, s9;
	s6 =	sadd.s32 @!p0 $0x88, s6;
	s7 =	simm.s32 @p2 $0x1082  }
0x22: {  	[simem:s7], [sflag:s8] =	dma.local @!p0 [hbm:s6], $0xF7A  }
0x23: {  	s9 =	sor.u32 $0xD0000000, s2;
	s6 =	simm.s32 $0x108;
	_ =	swait.ge @!p0 [sflag:s8], $0x0  }
0x24: {  	s3 =	sadd.s32 $0x88, s3;
	s6 =	simm.s32 @!p1 $0x1082;
	[sflag:s4] =	ssyncset.s32 $0xFFFFF086  }
0x25: {  	[simem:s6], [sflag:s4] =	dma.local [hbm:s3], $0xF7A  }
0x26: {  	[smem:$0x3F98] =	sst s1;
	(tag) =	ssettag s2;
	_ =	strace s9  }
0x27: {  	s1 =	sld [smem:$0x3FA8]  }
0x28: {  	s2 =	sld [smem:$0x3FA9]  }
0x29: {  	s4 =	sld [smem:$0x3FAB]  }
0x2a: {  	p0 =	seq.s32 s5, $0x0;
	s5 =	sld [smem:$0x3FAC]  }
0x2b: {  	s6 =	sld [smem:$0x3FAD]  }
0x2c: {  	s7 =	sld [smem:$0x3FAE]  }
0x2d: {  	s3 =	simm.s32 $0x108;
	s8 =	sld [smem:$0x3FAF]  }
0x2e: {  	s3 =	simm.s32 @!p0 $0x1082;
	s9 =	sld [smem:$0x3FB0]  }
0x2f: {  	lr =	sadd.s32 s0, s3;
	s0 =	sld [smem:$0x3FA7]  }
0x30: {  	s3 =	sld [smem:$0x3FAA]  }
0x31: {  	[smem:$0x3FB3] =	sst s10  }
0x32: {  	s10 =	sld [smem:$0x3FB1];
	_ =	sdelay $0x3  }
0x33: {  	p0 =	seq.s32 s10, $0x1;
	s10 =	sld [smem:$0x3FB3];
	_ =	sdelay $0x3  }
0x34: {  	[smem:$0x3FB3] =	sst s10  }
0x35: {  	s10 =	sld [smem:$0x3FB2];
	_ =	sdelay $0x3  }
0x36: {  	p1 =	seq.s32 s10, $0x1;
	s10 =	sld [smem:$0x3FB3];
	_ =	sdelay $0x3  }
0x37: {  	[smem:$0x3FB3] =	sst s10  }
0x38: {  	s10 =	sld [smem:$0x3FB4]  }
0x39: {  	_ = 	snop;
	(pc) =	sbr.ind lr, $3  }
0x3a: {  	_ = 	snop  }
0x3b: {  	_ = 	snop  }
0x3c: {  	p2 =	seq.s32 s10, $0x1;
	s10 =	sld [smem:$0x3FB3]  }
0x3d: {  	_ =	shalt  }
0x3e: {  	_ =	shalt  }
0x3f: {  	_ =	shalt  }
0x40: {  	_ =	shalt  }
0x41: {  	_ =	shalt  }
0x42: {  	_ =	shalt  }
0x43: {  	_ =	shalt  }
0x44: {  	_ =	shalt  }
0x45: {  	_ =	shalt  }
0x46: {  	_ =	shalt  }
0x47: {  	_ =	shalt  }
0x48: {  	_ =	shalt  }
0x49: {  	_ =	shalt  }
0x4a: {  	_ =	shalt  }
0x4b: {  	_ =	shalt  }
0x4c: {  	_ =	shalt  }
0x4d: {  	_ =	shalt  }
0x4e: {  	_ =	shalt  }
0x4f: {  	_ =	shalt  }
0x50: {  	_ =	shalt  }
0x51: {  	_ =	shalt  }
0x52: {  	_ =	shalt  }
0x53: {  	_ =	shalt  }
0x54: {  	_ =	shalt  }
0x55: {  	_ =	shalt  }
0x56: {  	_ =	shalt  }
0x57: {  	_ =	shalt  }
0x58: {  	_ =	shalt  }
0x59: {  	_ =	shalt  }
0x5a: {  	_ =	shalt  }
0x5b: {  	_ =	shalt  }
0x5c: {  	_ =	shalt  }
0x5d: {  	_ =	shalt  }
0x5e: {  	_ =	shalt  }
0x5f: {  	_ =	shalt  }
0x60: {  	_ =	shalt  }
0x61: {  	_ =	shalt  }
0x62: {  	_ =	shalt  }
0x63: {  	_ =	shalt  }
0x64: {  	_ =	shalt  }
0x65: {  	_ =	shalt  }
0x66: {  	_ =	shalt  }
0x67: {  	_ =	shalt  }
0x68: {  	_ =	shalt  }
0x69: {  	_ =	shalt  }
0x6a: {  	_ =	shalt  }
0x6b: {  	_ =	shalt  }
0x6c: {  	_ =	shalt  }
0x6d: {  	_ =	shalt  }
0x6e: {  	_ =	shalt  }
0x6f: {  	_ =	shalt  }
0x70: {  	_ =	shalt  }
0x71: {  	_ =	shalt  }
0x72: {  	_ =	shalt  }
0x73: {  	_ =	shalt  }
0x74: {  	_ =	shalt  }
0x75: {  	_ =	shalt  }
0x76: {  	_ =	shalt  }
0x77: {  	_ =	shalt  }
0x78: {  	_ =	shalt  }
0x79: {  	_ =	shalt  }
0x7a: {  	_ =	shalt  }
0x7b: {  	_ =	shalt  }
0x7c: {  	_ =	shalt  }
0x7d: {  	_ =	shalt  }
0x7e: {  	_ =	shalt  }
0x7f: {  	_ =	shalt  }
0x80: {  	_ =	shalt  }
0x81: {  	_ =	shalt  }
0x82: {  	_ =	shalt  }
0x83: {  	_ =	shalt  }
0x84: {  	_ =	shalt  }
0x85: {  	_ =	shalt  }
0x86: {  	_ =	shalt  }
0x87: {  	_ =	shalt  }
.Lfunc_end0:
.L_simem_size_0:
called_computation.1_lowered:
.L_overlay_start_0:
0x88: {  	s2 =	sld [smem:$0x3FD9]  }
0x89: {  	s3 =	sld [smem:$0x3FFE];
	_ =	sdelay $0x1  }
0x8a: {  	s1 =	srdreg.scid  }
0x8b: {  	s0 =	sand.u32 $0x1, s1  }
0x8c: {  	s15 =	sshll.u32 s0, $0xA;
	s2 =	sadd.s32 s3, s2  }
0x8d: {  	s2 =	sadd.s32 s2, s15  }
0x8e: {  	[smem:$0x3FBF] =	sst s2  }
0x8f: {  	_ = 	snop  }
0x90: {  	s2 =	sld [smem:$0x3FD0];
	_ =	sdelay $0x2  }
0x91: {  	s16 =	simm.s32 $0xB;
	s4 =	simm.s32 $0x10  }
0x92: {  	[smem:s4], [sflag:s16] =	dma.local [hbm:s2], $0x1  }
0x93: {  	_ =	swait.eq [sflag:s16], $0x1  }
0x94: {  	[sflag:s16] =	ssyncset.done $0x0  }
0x95: {  	[sflag:s16] =	ssyncadd.s32 $0xFFFFFFFF  }
0x96: {  	s17 =	sld [smem:$0x10];
	(tm) =	ssettm $0x1  }
0x97: {  	s18 =	sld [smem:$0x3FFB];
	_ =	sdelay $0x3  }
0x98: {  	_ =	strace s18  }
0x99: {  	s2 =	sld [smem:$0x3FFC];
	_ =	sdelay $0x3  }
0x9a: {  	_ =	strace s2  }
0x9b: {  	s2 =	sld [smem:$0x3FFD];
	_ =	sdelay $0x3  }
0x9c: {  	_ =	strace s2  }
0x9d: {  	_ =	strace $0x8FFFFFFF  }
0x9e: {  	s19 =	sld [smem:$0x3FDB];
	_ =	sdelay $0x1  }
0x9f: {  	s20 =	simm.s32 $_scs_section_size  }
0xa0: {  	s5 =	simm.s32 $_size__tile_overlayer_lowered;
	s6 =	simm.s32 $_tile_overlayer_lowered  }
0xa1: {  	s7 =	simm.s32 $0x1BFF;
	s21 =	sshll.u32 s6, $0x1;
	s4 =	sadd.s32 s20, s19  }
0xa2: {  	s22 =	simm.s32 $0x0;
	s5 =	sshll.u32 s5, $0x1;
	s6 =	sadd.s32 s21, s4  }
0xa3: {  	[timem:s22], [sflag:s7] =	dma.local [hbm:s6], s5  }
0xa4: {  	_ =	swait.ge [sflag:s7], s5  }
0xa5: {  	s5 =	ssub.s32 $0x0, s5;
	[sflag:s7] =	ssyncset.done $0x0  }
0xa6: {  	[sflag:s7] =	ssyncadd.s32 s5;
	_ =	sdelay $0x1  }
0xa7: {  	s23 =	simm.s32 $0x1B8B  }
0xa8: {  	_ =	swait.ge [sflag:s23], $0x1  }
0xa9: {  	[sflag:s23] =	ssyncset.done $0x0  }
0xaa: {  	[sflag:s23] =	ssyncadd.s32 $0xFFFFFFFF  }
0xab: {  	s5 =	sld [smem:$0x0]  }
0xac: {  	s6 =	sand.u32 $0xFFFFFFFE, s1  }
0xad: {  	p0 =	sne.s32 s1, s6  }
0xae: {  	s6 =	sshll.u32 @p0 s6, $0xE  }
0xaf: {  	s6 =	sadd.s32 @p0 $0x11B8D, s6;
	s7 =	sshll.u32 @p0 s5, $0x11  }
0xb0: {  	s6 =	sor.u32 @p0 s7, s6  }
0xb1: {  	[sflag:s6] =	ssyncadd.remote.s32 @p0 $0x1;
	_ =	sdelay $0x1  }
0xb2: {  	s6 =	simm.s32 @p0 $0x1B8D  }
0xb3: {  	_ =	swait.eq @p0 [sflag:s6], $0x1  }
0xb4: {  	[sflag:s6] =	ssyncadd.s32 @p0 $0xFFFFFFFF  }
0xb5: {  	s7 =	sshll.u32 @!p0 s1, $0xE  }
0xb6: {  	s7 =	sor.u32 @!p0 $0x4000, s7;
	s6 =	simm.s32 @!p0 $0x1B8D  }
0xb7: {  	s5 =	sshll.u32 @!p0 s5, $0x11;
	s7 =	sadd.s32 @!p0 $0x11B8D, s7;
	_ =	swait.eq @!p0 [sflag:s6], $0x1  }
0xb8: {  	s5 =	sor.u32 @!p0 s5, s7;
	[sflag:s6] =	ssyncadd.s32 @!p0 $0xFFFFFFFF  }
0xb9: {  	s25 =	simm.s32 $0x1B8E;
	s24 =	sld [smem:$0x3FFE];
	[sflag:s5] =	ssyncadd.remote.s32 @!p0 $0x1  }
0xba: {  	s26 =	simm.s32 $execute0_lowered;
	[smem:$0x3FD2] =	sst s25  }
0xbb: {  	s6 =	sshll.u32 s26, $0x1;
	_ =	strace $0x80000049;
	[dreg:$0x1] =	wrdreg $0xFFFFFFFF  }
0xbc: {  	s28 =	simm.s32 $_size_execute0_lowered;
	s4 =	sadd.s32 s4, s6;
	[dreg:$0x0] =	wrdreg $0x0  }
0xbd: {  	s6 =	sshll.u32 s28, $0x1;
	[dreg:$0x2] =	wrdreg s4  }
0xbe: {  	[dreg:$0x3] =	wrdreg s6  }
0xbf: {  	[dreg:$0x4] =	wrdreg $0xC0  }
0xc0: {  	_ =	task [dreg:s22], $0x5FFFF  }
0xc1: {  	[dreg:$0x1] =	wrdreg $0xFFFFFFFF  }
0xc2: {  	[dreg:$0x0] =	wrdreg $0x60  }
0xc3: {  	[dreg:$0x2] =	wrdreg s24  }
0xc4: {  	[dreg:$0x3] =	wrdreg s17  }
0xc5: {  	[dreg:$0x4] =	wrdreg $0xA  }
0xc6: {  	_ =	task.clear_ibuf [dreg:s22], $0x5FFFF;
	_ =	strace $0x90000049  }
0xc7: {  	s29 =	simm.s32 $0xA;
	_ =	strace $0x8000004B  }
0xc8: {  	_ =	swait.ge [sflag:s29], $0x1  }
0xc9: {  	[sflag:s29] =	ssyncadd.s32 $0xFFFFFFFF  }
0xca: {  	_ =	strace $0x9000004B  }
0xcb: {  	_ =	sfence  }
0xcc: {  	s30 =	sld [smem:$0x0];
	_ =	sdelay $0x2  }
0xcd: {  	s31 =	sshll.u32 s1, $0xD;
	s1 =	sshrl.u32 s1, $0x2  }
0xce: {  	s4 =	sand.u32 $0x4000, s31;
	s1 =	sadd.s32 s1, s30  }
0xcf: {  	s0 =	sor.u32 s4, s0;
	s1 =	sshll.u32 s1, $0x11  }
0xd0: {  	s0 =	sor.u32 s1, s0  }
0xd1: {  	s0 =	sadd.s32 $0x8F2B, s0  }
0xd2: {  	[sflag:s0] =	ssyncadd.remote.s32 $0x1  }
0xd3: {  	_ =	sfence.sel $0xFFFF  }
0xd4: {  	[dreg:$0x0] =	wrdreg $0xFFFFFFFF;
	(pc) =	sbr.abs _section_cstart, $3  }
0xd5: {  	[dreg:$0x1] =	wrdreg $0xFFFFFFFF  }
0xd6: {  	_ =	task.clear_ibuf [dreg:s22], $0x2FFFF;
	_ =	strace $0x9FFFFFFF  }
0xd7: {  	(tm) =	ssettm $0x7FFFFFFF  }
tec
execute0_lowered:
.L_overlay_start_1:
0x0: {  	(tag) =	ssettag $0x1  }
0x1: {  	s5 =	rddreg [dreg:$0x0];
	s1 =	srdreg.scid  }
0x2: {  	s0 =	stileid.u32;
	s2 =	rddreg [dreg:$0x1]  }
0x3: {  	s3 =	simm.s32 $0x0;
	s10 =	simm.s32 $0x1900;
	s11 =	simm.s32 $0x3200  }
0x4: {  	s12 =	simm.s32 $0x80;
	s4 =	sand.u32 $0x1, s1;
	s6 =	sshll.u32 s0, $0x1  }
0x5: {  	s13 =	simm.s32 $0x1;
	s14 =	simm.s32 $0x3280;
	s6 =	sor.u32 s4, s6  }
0x6: {  	s15 =	simm.s32 $0x0;
	[smem:$0x7FF] =	sst s3;
	s6 =	smul.u32 $0x320, s6  }
0x7: {  	s1 =	rddreg [dreg:$0x2];
	_ =	strace $0x8000004A;
	s7 =	ssub.s32 $0x2, s4  }
0x8: {  	s4 =	sadd.s32 $0xD3600, s5;
	s31 =	sshrl.u32 s7, $0x1;
	s8 =	sadd.s32 s6, s5  }
0x9: {  	s9 =	ssub.s32 s7, s31;
	s5 =	sadd.s32 $0x3CE600, s8;
	s6 =	sadd.s32 $0xCD200, s8  }
0xa: {  	s7 =	sadd.s32 $0x3D4A00, s8;
	s8 =	smax.u32 s9, $0x1;
	s9 =	simm.s32 $0x2  }
.LBB2_1:
0xb: {  	[tilespmem:s3], [sflag:$0x2] =	stream.linear.gather [hbm4b:s5+s3], $0x1900, $0x38;
	[tilespmem:$0x4B80] =	vst v63  }
0xc: {  	_ =	swait.ge [sflag:s9], $0x1900  }
0xd: {  	[sflag:s9] =	ssyncset.done $0x0  }
0xe: {  	[sflag:s9] =	ssyncadd.s32 $0xFFFFE700  }
0xf: {  	[tilespmem:s10], [sflag:$0x2] =	stream.linear.gather [hbm4b:s6+s3], $0x1900, $0x38;
	[tilespmem:$0x4B80] =	vst v63  }
0x10: {  	_ =	swait.ge [sflag:s9], $0x1900  }
0x11: {  	[sflag:s9] =	ssyncset.done $0x0  }
0x12: {  	[sflag:s9] =	ssyncadd.s32 $0xFFFFE700  }
0x13: {  	[tilespmem:s11], [sflag:$0x2] =	stream.linear.gather [hbm4b:s2+s3], $0x80, $0x38;
	[tilespmem:$0x4B80] =	vst v63  }
0x14: {  	_ =	swait.ge [sflag:s9], $0x80  }
0x15: {  	[sflag:s9] =	ssyncset.done $0x0  }
0x16: {  	s16 =	simm.s32 $0x0;
	[sflag:s9] =	ssyncadd.s32 $0xFFFFFF80  }
.LBB2_2:
0x17: {  	p0 =	sne.s32 s16, $0x6200  }
.Ltmp0:
0x18: {  	_ = 	snop;
	(pc) =	sbr.rel @p0 .LBB2_2-.Ltmp0, $4  }
0x19: {  	_ = 	snop  }
0x1a: {  	s17 =	sshra.s32 s16, $0x2  }
0x1b: {  	s16 =	sadd.s32 $0x200, s16;
	s18 =	sadd.s32 $0x3280, s17  }
0x1c: {  	[tilespmem:s18], [sflag:$0x1] =	stream.indirect.gather [hbm4b:s4+s12], $0x1, s17, s12, $0xb8;
	[tilespmem:$0x4B80] =	vst v63  }
0x1d: {  	s16 =	simm.s32 $0x32  }
.LBB2_4:
0x1e: {  	p0 =	sne.s32 s16, $0x1  }
.Ltmp1:
0x1f: {  	_ = 	snop;
	(pc) =	sbr.rel @p0 .LBB2_4-.Ltmp1, $4  }
0x20: {  	_ = 	snop  }
0x21: {  	_ =	swait.ge [sflag:s13], $0x80  }
0x22: {  	[sflag:s13] =	ssyncset.done $0x0  }
0x23: {  	s16 =	sadd.s32 $0xFFFFFFFF, s16;
	[sflag:s13] =	ssyncadd.s32 $0xFFFFFF80  }
0x24: {  	s17 =	simm.s32 $0x0  }
0x25: {  	v0 =	vld [tilespmem:s17+$0x1900];
	_ =	sdelay $0x4  }
0x26: {  	v2 =	vadd.s32 $0xFE828800, v0  }
0x27: {  	s16 =	simm.s32 $0x10;
	vm0 =	vgt.s32 v2, $0x0  }
0x28: {  	v1 =	vld [tilespmem:s16+$0x1900];
	v2 =	vnsel vm0, $0x0, v2;
	_ =	sdelay $0x3  }
0x29: {  	v3 =	vld [tilespmem:s17+$0x3280]  }
0x2a: {  	v4 =	vadd.s32 $0xFE828800, v1;
	v2 =	vld.idx.msk [tilespmem:v2+s11+$0x0], $0xffff  }
0x2b: {  	vm15 =	vgt.s32 v4, $0x0  }
0x2c: {  	s18 =	simm.s32 $0x20;
	s19 =	simm.s32 $0xC0;
	v4 =	vnsel vm15, $0x0, v4  }
.LBB2_6:
0x2d: {  	p0 =	sne.s32 s19, $0x63C0;
	v5 =	vld [tilespmem:s18+$0x1900]  }
0x2e: {  	vm0 =	vgt.s32 v0, $0x17D77FF;
	v0 =	vmov v1  }
0x2f: {  	v1 =	vsel vm0, v2, v3  }
.Ltmp2:
0x30: {  	[tilespmem:s17+$0x3280] =	vst v1;
	s17 =	smov.u32 s16;
	s16 =	smov.u32 s18;
	(pc) =	sbr.rel @p0 .LBB2_6-.Ltmp2, $4  }
0x31: {  	v2 =	vld.idx.msk [tilespmem:v4+s11+$0x0], $0xffff  }
0x32: {  	v4 =	vadd.s32 $0xFE828800, v5;
	v3 =	vld [tilespmem:s17+$0x3280];
	v1 =	vmov v5  }
0x33: {  	vm0 =	vgt.s32 v4, $0x0  }
0x34: {  	s18 =	sshra.s32 s19, $0x2;
	s19 =	sadd.s32 $0x40, s19;
	v4 =	vnsel vm0, $0x0, v4  }
0x35: {  	_ = 	snop  }
0x36: {  	v5 =	vld [tilespmem:s18+$0x1900];
	vm0 =	vgt.s32 v0, $0x17D77FF  }
0x37: {  	v0 =	vsel vm0, v2, v3  }
0x38: {  	[tilespmem:s17+$0x3280] =	vst v0  }
0x39: {  	v0 =	vld.idx.msk [tilespmem:v4+s11+$0x0], $0xffff  }
0x3a: {  	v62 =	vld [tilespmem:s16+$0x3280]  }
0x3b: {  	v61 =	vadd.s32 $0xFE828800, v5  }
0x3c: {  	vm13 =	vgt.s32 v61, $0x0  }
0x3d: {  	v2 =	vnsel vm13, $0x0, v61  }
0x3e: {  	vm14 =	vgt.s32 v1, $0x17D77FF  }
0x3f: {  	v0 =	vsel vm14, v0, v62  }
0x40: {  	[tilespmem:s16+$0x3280] =	vst v0  }
0x41: {  	v63 =	vld [tilespmem:s18+$0x3280]  }
0x42: {  	v0 =	vld.idx.msk [tilespmem:v2+s11+$0x0], $0xffff;
	_ =	sdelay $0x3  }
0x43: {  	s15 =	sadd.s32 $0x1, s15;
	vm15 =	vgt.s32 v5, $0x17D77FF  }
0x44: {  	p0 =	sne.s32 s15, s8;
	v0 =	vsel vm15, v0, v63  }
.Ltmp3:
0x45: {  	[tilespmem:s18+$0x3280] =	vst v0;
	(pc) =	sbr.rel @p0 .LBB2_1-.Ltmp3, $4  }
0x46: {  	[hbm4b:s7+s3] =	stream.linear.scatter [tilespmem:s14], [sflag:$0x2], $0x1900, $0x38;
	[tilespmem:$0x4B80] =	vst v63  }
0x47: {  	_ =	swait.ge [sflag:s9], $0x1900  }
0x48: {  	[sflag:s9] =	ssyncset.done $0x0  }
0x49: {  	[sflag:s9] =	ssyncadd.s32 $0xFFFFE700  }
0x4a: {  	_ =	sfence.sel $0x180000  }
0x4b: {  	[bflag:$0x0] =	sbarrier.arrive $0xFFFF  }
0x4c: {  	p0 =	sne.s32 s0, $0x0;
	_ =	strace $0x9000004A  }
0x4d: {  	s0 =	sadd.s32 @!p0 $0x100000, s1;
	[bflag:$0x2] =	sbarrier.arrive $0xFFFF  }
0x4e: {  	[sflag:s0] =	ssyncadd.tile.s32 @!p0 $0x1;
	_ =	shalt  }
.Lfunc_end2:
_tile_overlayer_lowered:
.L_overlay_start_2:
0x4f: {  	(tag) =	ssettag $0x2  }
0x50: {  	s0 =	rddreg [dreg:$0x0];
	s2 =	stileid.u32  }
0x51: {  	s1 =	rddreg [dreg:$0x1];
	p0 =	sne.s32 s2, $0x0  }
0x52: {  	s3 =	rddreg [dreg:$0x2];
	[bflag:$0x3] =	sbarrier.arrive $0xFFFF;
	s2 =	simm.s32 @!p0 $0x1C02  }
0x53: {  	[timem:s3], [sflag:s2] =	dma.local @!p0 [hbm:s0], s1  }
0x54: {  	s0 =	simm.s32 @!p0 $0x2  }
0x55: {  	_ =	swait.ge @!p0 [sflag:s0], s1  }
0x56: {  	s1 =	ssub.s32 @!p0 $0x0, s1;
	[sflag:s0] =	ssyncset.done @!p0 $0x0  }
0x57: {  	[sflag:s0] =	ssyncadd.s32 @!p0 s1  }
0x58: {  	[bflag:$0x3] =	sbarrier.arrive $0xFFFF  }
0x59: {  	_ =	shalt  }

</sc_bundles>
